<compile_context>
chip_gen: v7x
topology: tpu7x:2x2x1
jax: 0.10.2.dev20260603
libtpu: 0.0.44.dev20260713+nightly
codegen_flags: <defaults>
</compile_context>

<pallas_src>
import functools
import math

import jax
import jax.numpy as jnp
from jax import lax
from jax.experimental import pallas as pl
from jax.experimental.pallas import tpu as pltpu
from jax.experimental.pallas import tpu_sc as plsc

MAX_POS = 8192
BATCH = 4
WIDTHS = (32, 48, 48)
COL_OFF = (0, 32, 80)

QN = 128
MN = 64

NUM_WORKERS = 32
POS_TOTAL = BATCH * MAX_POS
P_PER_W = POS_TOTAL // NUM_WORKERS
CHUNK = 256
N_CHUNKS = P_PER_W // CHUNK
NBUF = 3


def _table_body(invf2_ref, t0_ref, t1_ref, t2_ref):
    invf2 = invf2_ref[...]
    qa = lax.broadcasted_iota(jnp.int32, (QN, 128), 0).astype(jnp.float32) * 64.0
    ang_a = qa * invf2
    ca, sa = jnp.cos(ang_a), jnp.sin(ang_a)
    mb = lax.broadcasted_iota(jnp.int32, (MN, 128), 0).astype(jnp.float32)
    k = (lax.broadcasted_iota(jnp.int32, (MN, 128), 1) % 2).astype(jnp.float32)
    ang_b = mb * invf2 - k * (math.pi / 2.0)
    cb, sb = jnp.cos(ang_b), jnp.sin(ang_b)
    full = ca[:, None, :] * cb[None, :, :] - sa[:, None, :] * sb[None, :, :]
    full = full.reshape(QN * MN, 128)
    t0_ref[...] = full[:, COL_OFF[0]:COL_OFF[0] + WIDTHS[0]]
    t1_ref[...] = full[:, COL_OFF[1]:COL_OFF[1] + WIDTHS[1]]
    t2_ref[...] = full[:, COL_OFF[2]:COL_OFF[2] + WIDTHS[2]]


def _build_tables(invf2):
    return pl.pallas_call(
        _table_body,
        out_shape=tuple(
            jax.ShapeDtypeStruct((MAX_POS, w), jnp.float32) for w in WIDTHS
        ),
    )(invf2)


@functools.partial(
    pl.kernel,
    mesh=plsc.VectorSubcoreMesh(core_axis_name="c", subcore_axis_name="s"),
    out_type=jax.ShapeDtypeStruct((POS_TOTAL, 128), jnp.float32),
    compiler_params=pltpu.CompilerParams(use_tc_tiling_on_sc=False),
    scratch_types=[
        pltpu.VMEM((3 * P_PER_W,), jnp.int32),
        pltpu.VMEM((NBUF, CHUNK, WIDTHS[0]), jnp.float32),
        pltpu.VMEM((NBUF, CHUNK, WIDTHS[1]), jnp.float32),
        pltpu.VMEM((NBUF, CHUNK, WIDTHS[2]), jnp.float32),
        pltpu.SemaphoreType.DMA,
        pltpu.SemaphoreType.DMA,
        pltpu.SemaphoreType.DMA,
        pltpu.SemaphoreType.DMA,
        pltpu.SemaphoreType.DMA,
        pltpu.SemaphoreType.DMA,
        pltpu.SemaphoreType.DMA,
    ],
)
def _sc_gather(ids_hbm, t0_hbm, t1_hbm, t2_hbm, out_hbm, idx_v, g0, g1, g2,
               idsem, gs0, gs1, gs2, ss0, ss1, ss2):
    c = lax.axis_index("c")
    s = lax.axis_index("s")
    wid = s * 2 + c
    b = wid // (MAX_POS // P_PER_W)
    base = wid * P_PER_W
    p0 = base - b * MAX_POS
    id_cps = [
        pltpu.async_copy(
            ids_hbm.at[pl.ds((b * 3 + sct) * MAX_POS + p0, P_PER_W)],
            idx_v.at[pl.ds(sct * P_PER_W, P_PER_W)], idsem)
        for sct in range(3)
    ]
    for cp in id_cps:
        cp.wait()

    tables = (t0_hbm, t1_hbm, t2_hbm)
    bufs = (g0, g1, g2)
    gsems = (gs0, gs1, gs2)
    ssems = (ss0, ss1, ss2)

    def start_gathers(i):
        slot = i % NBUF
        cps = []
        for sct in range(3):
            idx = idx_v.at[pl.ds(sct * P_PER_W + i * CHUNK, CHUNK)]
            cps.append(pltpu.async_copy(
                tables[sct].at[idx], bufs[sct].at[slot], gsems[slot]))
        return cps

    def start_scatters(i):
        slot = i % NBUF
        row = base + i * CHUNK
        cps = []
        for sct in range(3):
            cps.append(pltpu.async_copy(
                bufs[sct].at[slot],
                out_hbm.at[pl.ds(row, CHUNK), pl.ds(COL_OFF[sct], WIDTHS[sct])],
                ssems[slot]))
        return cps

    scat = [None] * NBUF
    g_infl = start_gathers(0)
    for i in range(N_CHUNKS):
        if i + 1 < N_CHUNKS:
            slot = (i + 1) % NBUF
            if scat[slot] is not None:
                for cp in scat[slot]:
                    cp.wait()
                scat[slot] = None
            nxt = start_gathers(i + 1)
        else:
            nxt = None
        for cp in g_infl:
            cp.wait()
        scat[i % NBUF] = start_scatters(i)
        g_infl = nxt
    for cps in scat:
        if cps is not None:
            for cp in cps:
                cp.wait()


def kernel(mrope_position_ids_padding, mrope_position_deltas, inv_freq):
    invf2 = jnp.repeat(inv_freq, 2).reshape(1, 128)
    t0, t1, t2 = _build_tables(invf2)
    ids_flat = mrope_position_ids_padding.reshape(BATCH * 3 * MAX_POS)
    out = _sc_gather(ids_flat, t0, t1, t2)
    cc = out.reshape(BATCH, MAX_POS * 128)
    return (cc, mrope_position_deltas)

# --- scband reference (transcript-rebuilt; emitter-appended) ---
"""Pipeline reference for scband-mrope-only-wrapper-32409823215890 (READ-ONLY COPY).

The authoritative reference and input builder live on the scoring server;
editing this copy changes nothing except your own understanding.
"""

import jax, jax.numpy as jnp
import numpy as np

MAX_POS = 8192
HEAD_DIM = 128
THETA = 10000.0
BATCH = 4
MROPE_SECTION = [16, 24, 24]

def setup_inputs(seed: int = 0):
    key = jax.random.key(seed)
    k1, k2 = jax.random.split(key)
    ids = jax.random.randint(k1, (BATCH, 3, MAX_POS), 0, MAX_POS, dtype=jnp.int32)
    deltas = jax.random.randint(k2, (BATCH, 1), 0, MAX_POS, dtype=jnp.int32)
    inv_freq = (1.0 / (THETA ** (np.arange(0, HEAD_DIM, 2, dtype=np.float32) / HEAD_DIM))).astype(np.float32)
    return {"mrope_position_ids_padding": ids, "mrope_position_deltas": deltas, "inv_freq": jnp.asarray(inv_freq)}

def _mix(x):
    splits = np.cumsum(MROPE_SECTION)[:-1].tolist()
    parts = jnp.split(x, splits, axis=-1)
    return jnp.concatenate([p[:, i % 3] for i, p in enumerate(parts)], axis=-1)

def reference(mrope_position_ids_padding, mrope_position_deltas, inv_freq):
    t = jnp.arange(MAX_POS, dtype=jnp.float32)
    sinusoid = t[:, None] * inv_freq[None, :]
    cos_ori = jnp.cos(sinusoid)
    sin_ori = jnp.sin(sinusoid)
    cos = jnp.take(cos_ori, mrope_position_ids_padding, axis=0)
    sin = jnp.take(sin_ori, mrope_position_ids_padding, axis=0)
    cos_m = _mix(cos)[..., None]
    sin_m = _mix(sin)[..., None]
    cc = jnp.concatenate([cos_m, sin_m], axis=-1)
    cc = cc.reshape(cc.shape[0], -1)
    return (cc, mrope_position_deltas)

if __name__ == "__main__":
    import jax
    _d = setup_inputs()
    print(jax.jit(kernel)(*tuple(_d.values())))

</pallas_src>

<mosaic_0001>
#map = affine_map<(d0, d1) -> (0)>
#map1 = affine_map<(d0, d1) -> (0, 0)>
module attributes {stable_mosaic.version = 14 : i64} {
  func.func @_sc_gather(%arg0: i32, %arg1: i32, %arg2: memref<98304xi32, #tpu.memory_space<hbm>>, %arg3: memref<8192x32xf32, #tpu.memory_space<hbm>>, %arg4: memref<8192x48xf32, #tpu.memory_space<hbm>>, %arg5: memref<8192x48xf32, #tpu.memory_space<hbm>>, %arg6: memref<32768x128xf32, #tpu.memory_space<hbm>>, %arg7: memref<3072xi32, #tpu.memory_space<vmem>>, %arg8: memref<3x256x32xf32, #tpu.memory_space<vmem>>, %arg9: memref<3x256x48xf32, #tpu.memory_space<vmem>>, %arg10: memref<3x256x48xf32, #tpu.memory_space<vmem>>, %arg11: memref<!tpu.dma_semaphore, #tpu.memory_space<semaphore_mem>>, %arg12: memref<!tpu.dma_semaphore, #tpu.memory_space<semaphore_mem>>, %arg13: memref<!tpu.dma_semaphore, #tpu.memory_space<semaphore_mem>>, %arg14: memref<!tpu.dma_semaphore, #tpu.memory_space<semaphore_mem>>, %arg15: memref<!tpu.dma_semaphore, #tpu.memory_space<semaphore_mem>>, %arg16: memref<!tpu.dma_semaphore, #tpu.memory_space<semaphore_mem>>, %arg17: memref<!tpu.dma_semaphore, #tpu.memory_space<semaphore_mem>>) attributes {dimension_semantics = [#tpu.dimension_semantics<core_parallel>, #tpu.dimension_semantics<subcore_parallel>], iteration_bounds = array<i64: 2, 16>, scalar_prefetch = 0 : i64, scratch_operands = 11 : i64, tpu.core_type = #tpu.core_type<sc_vector_subcore>, window_params = [{transform_indices = #map}, {transform_indices = #map1}, {transform_indices = #map1}, {transform_indices = #map1}, {transform_indices = #map1}]} {
    %mul3A = arith.constant 2 : i32
    %mul3A_0 = arith.muli %arg1, %mul3A : i32
    %add3A = arith.addi %mul3A_0, %arg0 : i32
    %jit3A = arith.constant 8 : i32
    %div3A = arith.divsi %add3A, %jit3A : i32
    %sign3A = arith.constant 0 : i32
    %sign3A_1 = arith.cmpi sgt, %add3A, %sign3A : i32
    %sign3A_2 = arith.extui %sign3A_1 : i1 to i32
    %sign3A_3 = arith.constant 0 : i32
    %sign3A_4 = arith.cmpi slt, %add3A, %sign3A_3 : i32
    %sign3A_5 = arith.extui %sign3A_4 : i1 to i32
    %sign3A_6 = arith.subi %sign3A_2, %sign3A_5 : i32
    %sign3A_7 = arith.constant 0 : i32
    %sign3A_8 = arith.cmpi sgt, %jit3A, %sign3A_7 : i32
    %sign3A_9 = arith.extui %sign3A_8 : i1 to i32
    %sign3A_10 = arith.constant 0 : i32
    %sign3A_11 = arith.cmpi slt, %jit3A, %sign3A_10 : i32
    %sign3A_12 = arith.extui %sign3A_11 : i1 to i32
    %sign3A_13 = arith.subi %sign3A_9, %sign3A_12 : i32
    %ne3A = arith.cmpi ne, %sign3A_6, %sign3A_13 : i32
    %rem3A = arith.remsi %add3A, %jit3A : i32
    %ne3A_14 = arith.constant 0 : i32
    %ne3A_15 = arith.cmpi ne, %rem3A, %ne3A_14 : i32
    %and3A = arith.andi %ne3A, %ne3A_15 : i1
    %sub3A = arith.constant 1 : i32
    %sub3A_16 = arith.subi %div3A, %sub3A : i32
    %select_n3A = arith.select %and3A, %sub3A_16, %div3A : i32
    %mul3A_17 = arith.constant 1024 : i32
    %mul3A_18 = arith.muli %add3A, %mul3A_17 : i32
    %mul3A_19 = arith.constant 8192 : i32
    %mul3A_20 = arith.muli %select_n3A, %mul3A_19 : i32
    %sub3A_21 = arith.subi %mul3A_18, %mul3A_20 : i32
    %mul3A_22 = arith.constant 3 : i32
    %mul3A_23 = arith.muli %select_n3A, %mul3A_22 : i32
    %add3A_24 = arith.constant 0 : i32
    %add3A_25 = arith.addi %mul3A_23, %add3A_24 : i32
    %mul3A_26 = arith.constant 8192 : i32
    %mul3A_27 = arith.muli %add3A_25, %mul3A_26 : i32
    %add3A_28 = arith.addi %mul3A_27, %sub3A_21 : i32
    %dma_start3A = arith.constant 0 : i32
    %dma_start3A_29 = tpu.memref_slice %arg7[%dma_start3A] : memref<3072xi32, #tpu.memory_space<vmem>> -> memref<1024xi32, #tpu.memory_space<vmem>>
    %dma_start3A_30 = tpu.memref_slice %arg2[%add3A_28] : memref<98304xi32, #tpu.memory_space<hbm>> -> memref<1024xi32, #tpu.memory_space<hbm>>
    %dma_start3A_31 = arith.constant 0 : i32
    %dma_start3A_32 = tpu.memref_slice %arg7[%dma_start3A_31] : memref<3072xi32, #tpu.memory_space<vmem>> -> memref<1024xi32, #tpu.memory_space<vmem>>
    %dma_start3A_33 = tpu.memref_slice %arg2[%add3A_28] : memref<98304xi32, #tpu.memory_space<hbm>> -> memref<1024xi32, #tpu.memory_space<hbm>>
    tpu.enqueue_dma source(%dma_start3A_33 : memref<1024xi32, #tpu.memory_space<hbm>>) target(%dma_start3A_32 : memref<1024xi32, #tpu.memory_space<vmem>>) target_semaphore(%arg11 : memref<!tpu.dma_semaphore, #tpu.memory_space<semaphore_mem>>)
    %mul3A_34 = arith.constant 3 : i32
    %mul3A_35 = arith.muli %select_n3A, %mul3A_34 : i32
    %add3A_36 = arith.constant 1 : i32
    %add3A_37 = arith.addi %mul3A_35, %add3A_36 : i32
    %mul3A_38 = arith.constant 8192 : i32
    %mul3A_39 = arith.muli %add3A_37, %mul3A_38 : i32
    %add3A_40 = arith.addi %mul3A_39, %sub3A_21 : i32
    %dma_start3A_41 = arith.constant 1024 : i32
    %dma_start3A_42 = tpu.memref_slice %arg7[%dma_start3A_41] : memref<3072xi32, #tpu.memory_space<vmem>> -> memref<1024xi32, #tpu.memory_space<vmem>>
    %dma_start3A_43 = tpu.memref_slice %arg2[%add3A_40] : memref<98304xi32, #tpu.memory_space<hbm>> -> memref<1024xi32, #tpu.memory_space<hbm>>
    %dma_start3A_44 = arith.constant 1024 : i32
    %dma_start3A_45 = tpu.memref_slice %arg7[%dma_start3A_44] : memref<3072xi32, #tpu.memory_space<vmem>> -> memref<1024xi32, #tpu.memory_space<vmem>>
    %dma_start3A_46 = tpu.memref_slice %arg2[%add3A_40] : memref<98304xi32, #tpu.memory_space<hbm>> -> memref<1024xi32, #tpu.memory_space<hbm>>
    tpu.enqueue_dma source(%dma_start3A_46 : memref<1024xi32, #tpu.memory_space<hbm>>) target(%dma_start3A_45 : memref<1024xi32, #tpu.memory_space<vmem>>) target_semaphore(%arg11 : memref<!tpu.dma_semaphore, #tpu.memory_space<semaphore_mem>>)
    %mul3A_47 = arith.constant 3 : i32
    %mul3A_48 = arith.muli %select_n3A, %mul3A_47 : i32
    %add3A_49 = arith.constant 2 : i32
    %add3A_50 = arith.addi %mul3A_48, %add3A_49 : i32
    %mul3A_51 = arith.constant 8192 : i32
    %mul3A_52 = arith.muli %add3A_50, %mul3A_51 : i32
    %add3A_53 = arith.addi %mul3A_52, %sub3A_21 : i32
    %dma_start3A_54 = arith.constant 2048 : i32
    %dma_start3A_55 = tpu.memref_slice %arg7[%dma_start3A_54] : memref<3072xi32, #tpu.memory_space<vmem>> -> memref<1024xi32, #tpu.memory_space<vmem>>
    %dma_start3A_56 = tpu.memref_slice %arg2[%add3A_53] : memref<98304xi32, #tpu.memory_space<hbm>> -> memref<1024xi32, #tpu.memory_space<hbm>>
    %dma_start3A_57 = arith.constant 2048 : i32
    %dma_start3A_58 = tpu.memref_slice %arg7[%dma_start3A_57] : memref<3072xi32, #tpu.memory_space<vmem>> -> memref<1024xi32, #tpu.memory_space<vmem>>
    %dma_start3A_59 = tpu.memref_slice %arg2[%add3A_53] : memref<98304xi32, #tpu.memory_space<hbm>> -> memref<1024xi32, #tpu.memory_space<hbm>>
    tpu.enqueue_dma source(%dma_start3A_59 : memref<1024xi32, #tpu.memory_space<hbm>>) target(%dma_start3A_58 : memref<1024xi32, #tpu.memory_space<vmem>>) target_semaphore(%arg11 : memref<!tpu.dma_semaphore, #tpu.memory_space<semaphore_mem>>)
    %dma_wait3A = arith.constant 0 : i32
    %dma_wait3A_60 = tpu.memref_slice %arg7[%dma_wait3A] : memref<3072xi32, #tpu.memory_space<vmem>> -> memref<1024xi32, #tpu.memory_space<vmem>>
    %dma_wait3A_61 = tpu.memref_slice %arg2[%add3A_28] : memref<98304xi32, #tpu.memory_space<hbm>> -> memref<1024xi32, #tpu.memory_space<hbm>>
    %dma_wait3A_62 = arith.constant 0 : i32
    %dma_wait3A_63 = tpu.memref_slice %arg7[%dma_wait3A_62] : memref<3072xi32, #tpu.memory_space<vmem>> -> memref<1024xi32, #tpu.memory_space<vmem>>
    %dma_wait3A_64 = tpu.memref_slice %arg2[%add3A_28] : memref<98304xi32, #tpu.memory_space<hbm>> -> memref<1024xi32, #tpu.memory_space<hbm>>
    tpu.wait_dma2 semaphore(%arg11 : memref<!tpu.dma_semaphore, #tpu.memory_space<semaphore_mem>>) src(%dma_wait3A_64 : memref<1024xi32, #tpu.memory_space<hbm>>) dst(%dma_wait3A_63 : memref<1024xi32, #tpu.memory_space<vmem>>)
    %dma_wait3A_65 = arith.constant 1024 : i32
    %dma_wait3A_66 = tpu.memref_slice %arg7[%dma_wait3A_65] : memref<3072xi32, #tpu.memory_space<vmem>> -> memref<1024xi32, #tpu.memory_space<vmem>>
    %dma_wait3A_67 = tpu.memref_slice %arg2[%add3A_40] : memref<98304xi32, #tpu.memory_space<hbm>> -> memref<1024xi32, #tpu.memory_space<hbm>>
    %dma_wait3A_68 = arith.constant 1024 : i32
    %dma_wait3A_69 = tpu.memref_slice %arg7[%dma_wait3A_68] : memref<3072xi32, #tpu.memory_space<vmem>> -> memref<1024xi32, #tpu.memory_space<vmem>>
    %dma_wait3A_70 = tpu.memref_slice %arg2[%add3A_40] : memref<98304xi32, #tpu.memory_space<hbm>> -> memref<1024xi32, #tpu.memory_space<hbm>>
    tpu.wait_dma2 semaphore(%arg11 : memref<!tpu.dma_semaphore, #tpu.memory_space<semaphore_mem>>) src(%dma_wait3A_70 : memref<1024xi32, #tpu.memory_space<hbm>>) dst(%dma_wait3A_69 : memref<1024xi32, #tpu.memory_space<vmem>>)
    %dma_wait3A_71 = arith.constant 2048 : i32
    %dma_wait3A_72 = tpu.memref_slice %arg7[%dma_wait3A_71] : memref<3072xi32, #tpu.memory_space<vmem>> -> memref<1024xi32, #tpu.memory_space<vmem>>
    %dma_wait3A_73 = tpu.memref_slice %arg2[%add3A_53] : memref<98304xi32, #tpu.memory_space<hbm>> -> memref<1024xi32, #tpu.memory_space<hbm>>
    %dma_wait3A_74 = arith.constant 2048 : i32
    %dma_wait3A_75 = tpu.memref_slice %arg7[%dma_wait3A_74] : memref<3072xi32, #tpu.memory_space<vmem>> -> memref<1024xi32, #tpu.memory_space<vmem>>
    %dma_wait3A_76 = tpu.memref_slice %arg2[%add3A_53] : memref<98304xi32, #tpu.memory_space<hbm>> -> memref<1024xi32, #tpu.memory_space<hbm>>
    tpu.wait_dma2 semaphore(%arg11 : memref<!tpu.dma_semaphore, #tpu.memory_space<semaphore_mem>>) src(%dma_wait3A_76 : memref<1024xi32, #tpu.memory_space<hbm>>) dst(%dma_wait3A_75 : memref<1024xi32, #tpu.memory_space<vmem>>)
    %dma_start3A_77 = arith.constant 0 : i32
    %dma_start3A_78 = arith.constant 0 : i32
    %dma_start3A_79 = arith.constant 0 : i32
    %dma_start3A_80 = tpu.memref_slice %arg8[%dma_start3A_77, %dma_start3A_78, %dma_start3A_79] : memref<3x256x32xf32, #tpu.memory_space<vmem>> -> memref<1x256x32xf32, #tpu.memory_space<vmem>>
    %dma_start3A_81 = tpu.memref_squeeze %dma_start3A_80 : memref<1x256x32xf32, #tpu.memory_space<vmem>> -> memref<256x32xf32, #tpu.memory_space<vmem>>
    %dma_start3A_82 = arith.constant 0 : i32
    %dma_start3A_83 = tpu.memref_slice %arg7[%dma_start3A_82] : memref<3072xi32, #tpu.memory_space<vmem>> -> memref<256xi32, #tpu.memory_space<vmem>>
    %dma_start3A_84 = arith.constant 0 : i32
    %dma_start3A_85 = arith.constant 0 : i32
    %dma_start3A_86 = tpu.memref_slice %arg3[%dma_start3A_84, %dma_start3A_85] : memref<8192x32xf32, #tpu.memory_space<hbm>> -> memref<8192x32xf32, #tpu.memory_space<hbm>>
    tpu.enqueue_indirect_dma source(%dma_start3A_86 : memref<8192x32xf32, #tpu.memory_space<hbm>>) target(%dma_start3A_81 : memref<256x32xf32, #tpu.memory_space<vmem>>) offsets(%dma_start3A_83 : memref<256xi32, #tpu.memory_space<vmem>>) semaphore(%arg12 : memref<!tpu.dma_semaphore, #tpu.memory_space<semaphore_mem>>)
    %dma_start3A_87 = arith.constant 0 : i32
    %dma_start3A_88 = arith.constant 0 : i32
    %dma_start3A_89 = arith.constant 0 : i32
    %dma_start3A_90 = tpu.memref_slice %arg9[%dma_start3A_87, %dma_start3A_88, %dma_start3A_89] : memref<3x256x48xf32, #tpu.memory_space<vmem>> -> memref<1x256x48xf32, #tpu.memory_space<vmem>>
    %dma_start3A_91 = tpu.memref_squeeze %dma_start3A_90 : memref<1x256x48xf32, #tpu.memory_space<vmem>> -> memref<256x48xf32, #tpu.memory_space<vmem>>
    %dma_start3A_92 = arith.constant 1024 : i32
    %dma_start3A_93 = tpu.memref_slice %arg7[%dma_start3A_92] : memref<3072xi32, #tpu.memory_space<vmem>> -> memref<256xi32, #tpu.memory_space<vmem>>
    %dma_start3A_94 = arith.constant 0 : i32
    %dma_start3A_95 = arith.constant 0 : i32
    %dma_start3A_96 = tpu.memref_slice %arg4[%dma_start3A_94, %dma_start3A_95] : memref<8192x48xf32, #tpu.memory_space<hbm>> -> memref<8192x48xf32, #tpu.memory_space<hbm>>
    tpu.enqueue_indirect_dma source(%dma_start3A_96 : memref<8192x48xf32, #tpu.memory_space<hbm>>) target(%dma_start3A_91 : memref<256x48xf32, #tpu.memory_space<vmem>>) offsets(%dma_start3A_93 : memref<256xi32, #tpu.memory_space<vmem>>) semaphore(%arg12 : memref<!tpu.dma_semaphore, #tpu.memory_space<semaphore_mem>>)
    %dma_start3A_97 = arith.constant 0 : i32
    %dma_start3A_98 = arith.constant 0 : i32
    %dma_start3A_99 = arith.constant 0 : i32
    %dma_start3A_100 = tpu.memref_slice %arg10[%dma_start3A_97, %dma_start3A_98, %dma_start3A_99] : memref<3x256x48xf32, #tpu.memory_space<vmem>> -> memref<1x256x48xf32, #tpu.memory_space<vmem>>
    %dma_start3A_101 = tpu.memref_squeeze %dma_start3A_100 : memref<1x256x48xf32, #tpu.memory_space<vmem>> -> memref<256x48xf32, #tpu.memory_space<vmem>>
    %dma_start3A_102 = arith.constant 2048 : i32
    %dma_start3A_103 = tpu.memref_slice %arg7[%dma_start3A_102] : memref<3072xi32, #tpu.memory_space<vmem>> -> memref<256xi32, #tpu.memory_space<vmem>>
    %dma_start3A_104 = arith.constant 0 : i32
    %dma_start3A_105 = arith.constant 0 : i32
    %dma_start3A_106 = tpu.memref_slice %arg5[%dma_start3A_104, %dma_start3A_105] : memref<8192x48xf32, #tpu.memory_space<hbm>> -> memref<8192x48xf32, #tpu.memory_space<hbm>>
    tpu.enqueue_indirect_dma source(%dma_start3A_106 : memref<8192x48xf32, #tpu.memory_space<hbm>>) target(%dma_start3A_101 : memref<256x48xf32, #tpu.memory_space<vmem>>) offsets(%dma_start3A_103 : memref<256xi32, #tpu.memory_space<vmem>>) semaphore(%arg12 : memref<!tpu.dma_semaphore, #tpu.memory_space<semaphore_mem>>)
    %dma_start3A_107 = arith.constant 1 : i32
    %dma_start3A_108 = arith.constant 0 : i32
    %dma_start3A_109 = arith.constant 0 : i32
    %dma_start3A_110 = tpu.memref_slice %arg8[%dma_start3A_107, %dma_start3A_108, %dma_start3A_109] : memref<3x256x32xf32, #tpu.memory_space<vmem>> -> memref<1x256x32xf32, #tpu.memory_space<vmem>>
    %dma_start3A_111 = tpu.memref_squeeze %dma_start3A_110 : memref<1x256x32xf32, #tpu.memory_space<vmem>> -> memref<256x32xf32, #tpu.memory_space<vmem>>
    %dma_start3A_112 = arith.constant 256 : i32
    %dma_start3A_113 = tpu.memref_slice %arg7[%dma_start3A_112] : memref<3072xi32, #tpu.memory_space<vmem>> -> memref<256xi32, #tpu.memory_space<vmem>>
    %dma_start3A_114 = arith.constant 0 : i32
    %dma_start3A_115 = arith.constant 0 : i32
    %dma_start3A_116 = tpu.memref_slice %arg3[%dma_start3A_114, %dma_start3A_115] : memref<8192x32xf32, #tpu.memory_space<hbm>> -> memref<8192x32xf32, #tpu.memory_space<hbm>>
    tpu.enqueue_indirect_dma source(%dma_start3A_116 : memref<8192x32xf32, #tpu.memory_space<hbm>>) target(%dma_start3A_111 : memref<256x32xf32, #tpu.memory_space<vmem>>) offsets(%dma_start3A_113 : memref<256xi32, #tpu.memory_space<vmem>>) semaphore(%arg13 : memref<!tpu.dma_semaphore, #tpu.memory_space<semaphore_mem>>)
    %dma_start3A_117 = arith.constant 1 : i32
    %dma_start3A_118 = arith.constant 0 : i32
    %dma_start3A_119 = arith.constant 0 : i32
    %dma_start3A_120 = tpu.memref_slice %arg9[%dma_start3A_117, %dma_start3A_118, %dma_start3A_119] : memref<3x256x48xf32, #tpu.memory_space<vmem>> -> memref<1x256x48xf32, #tpu.memory_space<vmem>>
    %dma_start3A_121 = tpu.memref_squeeze %dma_start3A_120 : memref<1x256x48xf32, #tpu.memory_space<vmem>> -> memref<256x48xf32, #tpu.memory_space<vmem>>
    %dma_start3A_122 = arith.constant 1280 : i32
    %dma_start3A_123 = tpu.memref_slice %arg7[%dma_start3A_122] : memref<3072xi32, #tpu.memory_space<vmem>> -> memref<256xi32, #tpu.memory_space<vmem>>
    %dma_start3A_124 = arith.constant 0 : i32
    %dma_start3A_125 = arith.constant 0 : i32
    %dma_start3A_126 = tpu.memref_slice %arg4[%dma_start3A_124, %dma_start3A_125] : memref<8192x48xf32, #tpu.memory_space<hbm>> -> memref<8192x48xf32, #tpu.memory_space<hbm>>
    tpu.enqueue_indirect_dma source(%dma_start3A_126 : memref<8192x48xf32, #tpu.memory_space<hbm>>) target(%dma_start3A_121 : memref<256x48xf32, #tpu.memory_space<vmem>>) offsets(%dma_start3A_123 : memref<256xi32, #tpu.memory_space<vmem>>) semaphore(%arg13 : memref<!tpu.dma_semaphore, #tpu.memory_space<semaphore_mem>>)
    %dma_start3A_127 = arith.constant 1 : i32
    %dma_start3A_128 = arith.constant 0 : i32
    %dma_start3A_129 = arith.constant 0 : i32
    %dma_start3A_130 = tpu.memref_slice %arg10[%dma_start3A_127, %dma_start3A_128, %dma_start3A_129] : memref<3x256x48xf32, #tpu.memory_space<vmem>> -> memref<1x256x48xf32, #tpu.memory_space<vmem>>
    %dma_start3A_131 = tpu.memref_squeeze %dma_start3A_130 : memref<1x256x48xf32, #tpu.memory_space<vmem>> -> memref<256x48xf32, #tpu.memory_space<vmem>>
    %dma_start3A_132 = arith.constant 2304 : i32
    %dma_start3A_133 = tpu.memref_slice %arg7[%dma_start3A_132] : memref<3072xi32, #tpu.memory_space<vmem>> -> memref<256xi32, #tpu.memory_space<vmem>>
    %dma_start3A_134 = arith.constant 0 : i32
    %dma_start3A_135 = arith.constant 0 : i32
    %dma_start3A_136 = tpu.memref_slice %arg5[%dma_start3A_134, %dma_start3A_135] : memref<8192x48xf32, #tpu.memory_space<hbm>> -> memref<8192x48xf32, #tpu.memory_space<hbm>>
    tpu.enqueue_indirect_dma source(%dma_start3A_136 : memref<8192x48xf32, #tpu.memory_space<hbm>>) target(%dma_start3A_131 : memref<256x48xf32, #tpu.memory_space<vmem>>) offsets(%dma_start3A_133 : memref<256xi32, #tpu.memory_space<vmem>>) semaphore(%arg13 : memref<!tpu.dma_semaphore, #tpu.memory_space<semaphore_mem>>)
    %dma_wait3A_137 = arith.constant 0 : i32
    %dma_wait3A_138 = arith.constant 0 : i32
    %dma_wait3A_139 = arith.constant 0 : i32
    %dma_wait3A_140 = tpu.memref_slice %arg8[%dma_wait3A_137, %dma_wait3A_138, %dma_wait3A_139] : memref<3x256x32xf32, #tpu.memory_space<vmem>> -> memref<1x256x32xf32, #tpu.memory_space<vmem>>
    %dma_wait3A_141 = tpu.memref_squeeze %dma_wait3A_140 : memref<1x256x32xf32, #tpu.memory_space<vmem>> -> memref<256x32xf32, #tpu.memory_space<vmem>>
    %dma_wait3A_142 = arith.constant 0 : i32
    %dma_wait3A_143 = tpu.memref_slice %arg7[%dma_wait3A_142] : memref<3072xi32, #tpu.memory_space<vmem>> -> memref<256xi32, #tpu.memory_space<vmem>>
    %dma_wait3A_144 = arith.constant 0 : i32
    %dma_wait3A_145 = arith.constant 0 : i32
    %dma_wait3A_146 = tpu.memref_slice %arg3[%dma_wait3A_144, %dma_wait3A_145] : memref<8192x32xf32, #tpu.memory_space<hbm>> -> memref<8192x32xf32, #tpu.memory_space<hbm>>
    tpu.wait_indirect_dma semaphore(%arg12 : memref<!tpu.dma_semaphore, #tpu.memory_space<semaphore_mem>>) src(%dma_wait3A_146 : memref<8192x32xf32, #tpu.memory_space<hbm>>) dst(%dma_wait3A_141 : memref<256x32xf32, #tpu.memory_space<vmem>>)
    %dma_wait3A_147 = arith.constant 0 : i32
    %dma_wait3A_148 = arith.constant 0 : i32
    %dma_wait3A_149 = arith.constant 0 : i32
    %dma_wait3A_150 = tpu.memref_slice %arg9[%dma_wait3A_147, %dma_wait3A_148, %dma_wait3A_149] : memref<3x256x48xf32, #tpu.memory_space<vmem>> -> memref<1x256x48xf32, #tpu.memory_space<vmem>>
    %dma_wait3A_151 = tpu.memref_squeeze %dma_wait3A_150 : memref<1x256x48xf32, #tpu.memory_space<vmem>> -> memref<256x48xf32, #tpu.memory_space<vmem>>
    %dma_wait3A_152 = arith.constant 1024 : i32
    %dma_wait3A_153 = tpu.memref_slice %arg7[%dma_wait3A_152] : memref<3072xi32, #tpu.memory_space<vmem>> -> memref<256xi32, #tpu.memory_space<vmem>>
    %dma_wait3A_154 = arith.constant 0 : i32
    %dma_wait3A_155 = arith.constant 0 : i32
    %dma_wait3A_156 = tpu.memref_slice %arg4[%dma_wait3A_154, %dma_wait3A_155] : memref<8192x48xf32, #tpu.memory_space<hbm>> -> memref<8192x48xf32, #tpu.memory_space<hbm>>
    tpu.wait_indirect_dma semaphore(%arg12 : memref<!tpu.dma_semaphore, #tpu.memory_space<semaphore_mem>>) src(%dma_wait3A_156 : memref<8192x48xf32, #tpu.memory_space<hbm>>) dst(%dma_wait3A_151 : memref<256x48xf32, #tpu.memory_space<vmem>>)
    %dma_wait3A_157 = arith.constant 0 : i32
    %dma_wait3A_158 = arith.constant 0 : i32
    %dma_wait3A_159 = arith.constant 0 : i32
    %dma_wait3A_160 = tpu.memref_slice %arg10[%dma_wait3A_157, %dma_wait3A_158, %dma_wait3A_159] : memref<3x256x48xf32, #tpu.memory_space<vmem>> -> memref<1x256x48xf32, #tpu.memory_space<vmem>>
    %dma_wait3A_161 = tpu.memref_squeeze %dma_wait3A_160 : memref<1x256x48xf32, #tpu.memory_space<vmem>> -> memref<256x48xf32, #tpu.memory_space<vmem>>
    %dma_wait3A_162 = arith.constant 2048 : i32
    %dma_wait3A_163 = tpu.memref_slice %arg7[%dma_wait3A_162] : memref<3072xi32, #tpu.memory_space<vmem>> -> memref<256xi32, #tpu.memory_space<vmem>>
    %dma_wait3A_164 = arith.constant 0 : i32
    %dma_wait3A_165 = arith.constant 0 : i32
    %dma_wait3A_166 = tpu.memref_slice %arg5[%dma_wait3A_164, %dma_wait3A_165] : memref<8192x48xf32, #tpu.memory_space<hbm>> -> memref<8192x48xf32, #tpu.memory_space<hbm>>
    tpu.wait_indirect_dma semaphore(%arg12 : memref<!tpu.dma_semaphore, #tpu.memory_space<semaphore_mem>>) src(%dma_wait3A_166 : memref<8192x48xf32, #tpu.memory_space<hbm>>) dst(%dma_wait3A_161 : memref<256x48xf32, #tpu.memory_space<vmem>>)
    %add3A_167 = arith.constant 0 : i32
    %add3A_168 = arith.addi %mul3A_18, %add3A_167 : i32
    %dma_start3A_169 = arith.constant 0 : i32
    %dma_start3A_170 = arith.constant 0 : i32
    %dma_start3A_171 = arith.constant 0 : i32
    %dma_start3A_172 = tpu.memref_slice %arg8[%dma_start3A_169, %dma_start3A_170, %dma_start3A_171] : memref<3x256x32xf32, #tpu.memory_space<vmem>> -> memref<1x256x32xf32, #tpu.memory_space<vmem>>
    %dma_start3A_173 = tpu.memref_squeeze %dma_start3A_172 : memref<1x256x32xf32, #tpu.memory_space<vmem>> -> memref<256x32xf32, #tpu.memory_space<vmem>>
    %dma_start3A_174 = arith.constant 0 : i32
    %dma_start3A_175 = tpu.memref_slice %arg6[%add3A_168, %dma_start3A_174] : memref<32768x128xf32, #tpu.memory_space<hbm>> -> memref<256x32xf32, #tpu.memory_space<hbm>>
    %dma_start3A_176 = arith.constant 0 : i32
    %dma_start3A_177 = tpu.memref_slice %arg6[%add3A_168, %dma_start3A_176] : memref<32768x128xf32, #tpu.memory_space<hbm>> -> memref<256x32xf32, #tpu.memory_space<hbm>>
    %dma_start3A_178 = arith.constant 0 : i32
    %dma_start3A_179 = arith.constant 0 : i32
    %dma_start3A_180 = tpu.memref_slice %arg8[%dma_start3A_169, %dma_start3A_178, %dma_start3A_179] : memref<3x256x32xf32, #tpu.memory_space<vmem>> -> memref<1x256x32xf32, #tpu.memory_space<vmem>>
    %dma_start3A_181 = tpu.memref_squeeze %dma_start3A_180 : memref<1x256x32xf32, #tpu.memory_space<vmem>> -> memref<256x32xf32, #tpu.memory_space<vmem>>
    tpu.enqueue_dma source(%dma_start3A_181 : memref<256x32xf32, #tpu.memory_space<vmem>>) target(%dma_start3A_177 : memref<256x32xf32, #tpu.memory_space<hbm>>) target_semaphore(%arg15 : memref<!tpu.dma_semaphore, #tpu.memory_space<semaphore_mem>>)
    %dma_start3A_182 = arith.constant 0 : i32
    %dma_start3A_183 = arith.constant 0 : i32
    %dma_start3A_184 = arith.constant 0 : i32
    %dma_start3A_185 = tpu.memref_slice %arg9[%dma_start3A_182, %dma_start3A_183, %dma_start3A_184] : memref<3x256x48xf32, #tpu.memory_space<vmem>> -> memref<1x256x48xf32, #tpu.memory_space<vmem>>
    %dma_start3A_186 = tpu.memref_squeeze %dma_start3A_185 : memref<1x256x48xf32, #tpu.memory_space<vmem>> -> memref<256x48xf32, #tpu.memory_space<vmem>>
    %dma_start3A_187 = arith.constant 32 : i32
    %dma_start3A_188 = tpu.memref_slice %arg6[%add3A_168, %dma_start3A_187] : memref<32768x128xf32, #tpu.memory_space<hbm>> -> memref<256x48xf32, #tpu.memory_space<hbm>>
    %dma_start3A_189 = arith.constant 32 : i32
    %dma_start3A_190 = tpu.memref_slice %arg6[%add3A_168, %dma_start3A_189] : memref<32768x128xf32, #tpu.memory_space<hbm>> -> memref<256x48xf32, #tpu.memory_space<hbm>>
    %dma_start3A_191 = arith.constant 0 : i32
    %dma_start3A_192 = arith.constant 0 : i32
    %dma_start3A_193 = tpu.memref_slice %arg9[%dma_start3A_182, %dma_start3A_191, %dma_start3A_192] : memref<3x256x48xf32, #tpu.memory_space<vmem>> -> memref<1x256x48xf32, #tpu.memory_space<vmem>>
    %dma_start3A_194 = tpu.memref_squeeze %dma_start3A_193 : memref<1x256x48xf32, #tpu.memory_space<vmem>> -> memref<256x48xf32, #tpu.memory_space<vmem>>
    tpu.enqueue_dma source(%dma_start3A_194 : memref<256x48xf32, #tpu.memory_space<vmem>>) target(%dma_start3A_190 : memref<256x48xf32, #tpu.memory_space<hbm>>) target_semaphore(%arg15 : memref<!tpu.dma_semaphore, #tpu.memory_space<semaphore_mem>>)
    %dma_start3A_195 = arith.constant 0 : i32
    %dma_start3A_196 = arith.constant 0 : i32
    %dma_start3A_197 = arith.constant 0 : i32
    %dma_start3A_198 = tpu.memref_slice %arg10[%dma_start3A_195, %dma_start3A_196, %dma_start3A_197] : memref<3x256x48xf32, #tpu.memory_space<vmem>> -> memref<1x256x48xf32, #tpu.memory_space<vmem>>
    %dma_start3A_199 = tpu.memref_squeeze %dma_start3A_198 : memref<1x256x48xf32, #tpu.memory_space<vmem>> -> memref<256x48xf32, #tpu.memory_space<vmem>>
    %dma_start3A_200 = arith.constant 80 : i32
    %dma_start3A_201 = tpu.memref_slice %arg6[%add3A_168, %dma_start3A_200] : memref<32768x128xf32, #tpu.memory_space<hbm>> -> memref<256x48xf32, #tpu.memory_space<hbm>>
    %dma_start3A_202 = arith.constant 80 : i32
    %dma_start3A_203 = tpu.memref_slice %arg6[%add3A_168, %dma_start3A_202] : memref<32768x128xf32, #tpu.memory_space<hbm>> -> memref<256x48xf32, #tpu.memory_space<hbm>>
    %dma_start3A_204 = arith.constant 0 : i32
    %dma_start3A_205 = arith.constant 0 : i32
    %dma_start3A_206 = tpu.memref_slice %arg10[%dma_start3A_195, %dma_start3A_204, %dma_start3A_205] : memref<3x256x48xf32, #tpu.memory_space<vmem>> -> memref<1x256x48xf32, #tpu.memory_space<vmem>>
    %dma_start3A_207 = tpu.memref_squeeze %dma_start3A_206 : memref<1x256x48xf32, #tpu.memory_space<vmem>> -> memref<256x48xf32, #tpu.memory_space<vmem>>
    tpu.enqueue_dma source(%dma_start3A_207 : memref<256x48xf32, #tpu.memory_space<vmem>>) target(%dma_start3A_203 : memref<256x48xf32, #tpu.memory_space<hbm>>) target_semaphore(%arg15 : memref<!tpu.dma_semaphore, #tpu.memory_space<semaphore_mem>>)
    %dma_start3A_208 = arith.constant 2 : i32
    %dma_start3A_209 = arith.constant 0 : i32
    %dma_start3A_210 = arith.constant 0 : i32
    %dma_start3A_211 = tpu.memref_slice %arg8[%dma_start3A_208, %dma_start3A_209, %dma_start3A_210] : memref<3x256x32xf32, #tpu.memory_space<vmem>> -> memref<1x256x32xf32, #tpu.memory_space<vmem>>
    %dma_start3A_212 = tpu.memref_squeeze %dma_start3A_211 : memref<1x256x32xf32, #tpu.memory_space<vmem>> -> memref<256x32xf32, #tpu.memory_space<vmem>>
    %dma_start3A_213 = arith.constant 512 : i32
    %dma_start3A_214 = tpu.memref_slice %arg7[%dma_start3A_213] : memref<3072xi32, #tpu.memory_space<vmem>> -> memref<256xi32, #tpu.memory_space<vmem>>
    %dma_start3A_215 = arith.constant 0 : i32
    %dma_start3A_216 = arith.constant 0 : i32
    %dma_start3A_217 = tpu.memref_slice %arg3[%dma_start3A_215, %dma_start3A_216] : memref<8192x32xf32, #tpu.memory_space<hbm>> -> memref<8192x32xf32, #tpu.memory_space<hbm>>
    tpu.enqueue_indirect_dma source(%dma_start3A_217 : memref<8192x32xf32, #tpu.memory_space<hbm>>) target(%dma_start3A_212 : memref<256x32xf32, #tpu.memory_space<vmem>>) offsets(%dma_start3A_214 : memref<256xi32, #tpu.memory_space<vmem>>) semaphore(%arg14 : memref<!tpu.dma_semaphore, #tpu.memory_space<semaphore_mem>>)
    %dma_start3A_218 = arith.constant 2 : i32
    %dma_start3A_219 = arith.constant 0 : i32
    %dma_start3A_220 = arith.constant 0 : i32
    %dma_start3A_221 = tpu.memref_slice %arg9[%dma_start3A_218, %dma_start3A_219, %dma_start3A_220] : memref<3x256x48xf32, #tpu.memory_space<vmem>> -> memref<1x256x48xf32, #tpu.memory_space<vmem>>
    %dma_start3A_222 = tpu.memref_squeeze %dma_start3A_221 : memref<1x256x48xf32, #tpu.memory_space<vmem>> -> memref<256x48xf32, #tpu.memory_space<vmem>>
    %dma_start3A_223 = arith.constant 1536 : i32
    %dma_start3A_224 = tpu.memref_slice %arg7[%dma_start3A_223] : memref<3072xi32, #tpu.memory_space<vmem>> -> memref<256xi32, #tpu.memory_space<vmem>>
    %dma_start3A_225 = arith.constant 0 : i32
    %dma_start3A_226 = arith.constant 0 : i32
    %dma_start3A_227 = tpu.memref_slice %arg4[%dma_start3A_225, %dma_start3A_226] : memref<8192x48xf32, #tpu.memory_space<hbm>> -> memref<8192x48xf32, #tpu.memory_space<hbm>>
    tpu.enqueue_indirect_dma source(%dma_start3A_227 : memref<8192x48xf32, #tpu.memory_space<hbm>>) target(%dma_start3A_222 : memref<256x48xf32, #tpu.memory_space<vmem>>) offsets(%dma_start3A_224 : memref<256xi32, #tpu.memory_space<vmem>>) semaphore(%arg14 : memref<!tpu.dma_semaphore, #tpu.memory_space<semaphore_mem>>)
    %dma_start3A_228 = arith.constant 2 : i32
    %dma_start3A_229 = arith.constant 0 : i32
    %dma_start3A_230 = arith.constant 0 : i32
    %dma_start3A_231 = tpu.memref_slice %arg10[%dma_start3A_228, %dma_start3A_229, %dma_start3A_230] : memref<3x256x48xf32, #tpu.memory_space<vmem>> -> memref<1x256x48xf32, #tpu.memory_space<vmem>>
    %dma_start3A_232 = tpu.memref_squeeze %dma_start3A_231 : memref<1x256x48xf32, #tpu.memory_space<vmem>> -> memref<256x48xf32, #tpu.memory_space<vmem>>
    %dma_start3A_233 = arith.constant 2560 : i32
    %dma_start3A_234 = tpu.memref_slice %arg7[%dma_start3A_233] : memref<3072xi32, #tpu.memory_space<vmem>> -> memref<256xi32, #tpu.memory_space<vmem>>
    %dma_start3A_235 = arith.constant 0 : i32
    %dma_start3A_236 = arith.constant 0 : i32
    %dma_start3A_237 = tpu.memref_slice %arg5[%dma_start3A_235, %dma_start3A_236] : memref<8192x48xf32, #tpu.memory_space<hbm>> -> memref<8192x48xf32, #tpu.memory_space<hbm>>
    tpu.enqueue_indirect_dma source(%dma_start3A_237 : memref<8192x48xf32, #tpu.memory_space<hbm>>) target(%dma_start3A_232 : memref<256x48xf32, #tpu.memory_space<vmem>>) offsets(%dma_start3A_234 : memref<256xi32, #tpu.memory_space<vmem>>) semaphore(%arg14 : memref<!tpu.dma_semaphore, #tpu.memory_space<semaphore_mem>>)
    %dma_wait3A_238 = arith.constant 1 : i32
    %dma_wait3A_239 = arith.constant 0 : i32
    %dma_wait3A_240 = arith.constant 0 : i32
    %dma_wait3A_241 = tpu.memref_slice %arg8[%dma_wait3A_238, %dma_wait3A_239, %dma_wait3A_240] : memref<3x256x32xf32, #tpu.memory_space<vmem>> -> memref<1x256x32xf32, #tpu.memory_space<vmem>>
    %dma_wait3A_242 = tpu.memref_squeeze %dma_wait3A_241 : memref<1x256x32xf32, #tpu.memory_space<vmem>> -> memref<256x32xf32, #tpu.memory_space<vmem>>
    %dma_wait3A_243 = arith.constant 256 : i32
    %dma_wait3A_244 = tpu.memref_slice %arg7[%dma_wait3A_243] : memref<3072xi32, #tpu.memory_space<vmem>> -> memref<256xi32, #tpu.memory_space<vmem>>
    %dma_wait3A_245 = arith.constant 0 : i32
    %dma_wait3A_246 = arith.constant 0 : i32
    %dma_wait3A_247 = tpu.memref_slice %arg3[%dma_wait3A_245, %dma_wait3A_246] : memref<8192x32xf32, #tpu.memory_space<hbm>> -> memref<8192x32xf32, #tpu.memory_space<hbm>>
    tpu.wait_indirect_dma semaphore(%arg13 : memref<!tpu.dma_semaphore, #tpu.memory_space<semaphore_mem>>) src(%dma_wait3A_247 : memref<8192x32xf32, #tpu.memory_space<hbm>>) dst(%dma_wait3A_242 : memref<256x32xf32, #tpu.memory_space<vmem>>)
    %dma_wait3A_248 = arith.constant 1 : i32
    %dma_wait3A_249 = arith.constant 0 : i32
    %dma_wait3A_250 = arith.constant 0 : i32
    %dma_wait3A_251 = tpu.memref_slice %arg9[%dma_wait3A_248, %dma_wait3A_249, %dma_wait3A_250] : memref<3x256x48xf32, #tpu.memory_space<vmem>> -> memref<1x256x48xf32, #tpu.memory_space<vmem>>
    %dma_wait3A_252 = tpu.memref_squeeze %dma_wait3A_251 : memref<1x256x48xf32, #tpu.memory_space<vmem>> -> memref<256x48xf32, #tpu.memory_space<vmem>>
    %dma_wait3A_253 = arith.constant 1280 : i32
    %dma_wait3A_254 = tpu.memref_slice %arg7[%dma_wait3A_253] : memref<3072xi32, #tpu.memory_space<vmem>> -> memref<256xi32, #tpu.memory_space<vmem>>
    %dma_wait3A_255 = arith.constant 0 : i32
    %dma_wait3A_256 = arith.constant 0 : i32
    %dma_wait3A_257 = tpu.memref_slice %arg4[%dma_wait3A_255, %dma_wait3A_256] : memref<8192x48xf32, #tpu.memory_space<hbm>> -> memref<8192x48xf32, #tpu.memory_space<hbm>>
    tpu.wait_indirect_dma semaphore(%arg13 : memref<!tpu.dma_semaphore, #tpu.memory_space<semaphore_mem>>) src(%dma_wait3A_257 : memref<8192x48xf32, #tpu.memory_space<hbm>>) dst(%dma_wait3A_252 : memref<256x48xf32, #tpu.memory_space<vmem>>)
    %dma_wait3A_258 = arith.constant 1 : i32
    %dma_wait3A_259 = arith.constant 0 : i32
    %dma_wait3A_260 = arith.constant 0 : i32
    %dma_wait3A_261 = tpu.memref_slice %arg10[%dma_wait3A_258, %dma_wait3A_259, %dma_wait3A_260] : memref<3x256x48xf32, #tpu.memory_space<vmem>> -> memref<1x256x48xf32, #tpu.memory_space<vmem>>
    %dma_wait3A_262 = tpu.memref_squeeze %dma_wait3A_261 : memref<1x256x48xf32, #tpu.memory_space<vmem>> -> memref<256x48xf32, #tpu.memory_space<vmem>>
    %dma_wait3A_263 = arith.constant 2304 : i32
    %dma_wait3A_264 = tpu.memref_slice %arg7[%dma_wait3A_263] : memref<3072xi32, #tpu.memory_space<vmem>> -> memref<256xi32, #tpu.memory_space<vmem>>
    %dma_wait3A_265 = arith.constant 0 : i32
    %dma_wait3A_266 = arith.constant 0 : i32
    %dma_wait3A_267 = tpu.memref_slice %arg5[%dma_wait3A_265, %dma_wait3A_266] : memref<8192x48xf32, #tpu.memory_space<hbm>> -> memref<8192x48xf32, #tpu.memory_space<hbm>>
    tpu.wait_indirect_dma semaphore(%arg13 : memref<!tpu.dma_semaphore, #tpu.memory_space<semaphore_mem>>) src(%dma_wait3A_267 : memref<8192x48xf32, #tpu.memory_space<hbm>>) dst(%dma_wait3A_262 : memref<256x48xf32, #tpu.memory_space<vmem>>)
    %add3A_268 = arith.constant 256 : i32
    %add3A_269 = arith.addi %mul3A_18, %add3A_268 : i32
    %dma_start3A_270 = arith.constant 1 : i32
    %dma_start3A_271 = arith.constant 0 : i32
    %dma_start3A_272 = arith.constant 0 : i32
    %dma_start3A_273 = tpu.memref_slice %arg8[%dma_start3A_270, %dma_start3A_271, %dma_start3A_272] : memref<3x256x32xf32, #tpu.memory_space<vmem>> -> memref<1x256x32xf32, #tpu.memory_space<vmem>>
    %dma_start3A_274 = tpu.memref_squeeze %dma_start3A_273 : memref<1x256x32xf32, #tpu.memory_space<vmem>> -> memref<256x32xf32, #tpu.memory_space<vmem>>
    %dma_start3A_275 = arith.constant 0 : i32
    %dma_start3A_276 = tpu.memref_slice %arg6[%add3A_269, %dma_start3A_275] : memref<32768x128xf32, #tpu.memory_space<hbm>> -> memref<256x32xf32, #tpu.memory_space<hbm>>
    %dma_start3A_277 = arith.constant 0 : i32
    %dma_start3A_278 = tpu.memref_slice %arg6[%add3A_269, %dma_start3A_277] : memref<32768x128xf32, #tpu.memory_space<hbm>> -> memref<256x32xf32, #tpu.memory_space<hbm>>
    %dma_start3A_279 = arith.constant 0 : i32
    %dma_start3A_280 = arith.constant 0 : i32
    %dma_start3A_281 = tpu.memref_slice %arg8[%dma_start3A_270, %dma_start3A_279, %dma_start3A_280] : memref<3x256x32xf32, #tpu.memory_space<vmem>> -> memref<1x256x32xf32, #tpu.memory_space<vmem>>
    %dma_start3A_282 = tpu.memref_squeeze %dma_start3A_281 : memref<1x256x32xf32, #tpu.memory_space<vmem>> -> memref<256x32xf32, #tpu.memory_space<vmem>>
    tpu.enqueue_dma source(%dma_start3A_282 : memref<256x32xf32, #tpu.memory_space<vmem>>) target(%dma_start3A_278 : memref<256x32xf32, #tpu.memory_space<hbm>>) target_semaphore(%arg16 : memref<!tpu.dma_semaphore, #tpu.memory_space<semaphore_mem>>)
    %dma_start3A_283 = arith.constant 1 : i32
    %dma_start3A_284 = arith.constant 0 : i32
    %dma_start3A_285 = arith.constant 0 : i32
    %dma_start3A_286 = tpu.memref_slice %arg9[%dma_start3A_283, %dma_start3A_284, %dma_start3A_285] : memref<3x256x48xf32, #tpu.memory_space<vmem>> -> memref<1x256x48xf32, #tpu.memory_space<vmem>>
    %dma_start3A_287 = tpu.memref_squeeze %dma_start3A_286 : memref<1x256x48xf32, #tpu.memory_space<vmem>> -> memref<256x48xf32, #tpu.memory_space<vmem>>
    %dma_start3A_288 = arith.constant 32 : i32
    %dma_start3A_289 = tpu.memref_slice %arg6[%add3A_269, %dma_start3A_288] : memref<32768x128xf32, #tpu.memory_space<hbm>> -> memref<256x48xf32, #tpu.memory_space<hbm>>
    %dma_start3A_290 = arith.constant 32 : i32
    %dma_start3A_291 = tpu.memref_slice %arg6[%add3A_269, %dma_start3A_290] : memref<32768x128xf32, #tpu.memory_space<hbm>> -> memref<256x48xf32, #tpu.memory_space<hbm>>
    %dma_start3A_292 = arith.constant 0 : i32
    %dma_start3A_293 = arith.constant 0 : i32
    %dma_start3A_294 = tpu.memref_slice %arg9[%dma_start3A_283, %dma_start3A_292, %dma_start3A_293] : memref<3x256x48xf32, #tpu.memory_space<vmem>> -> memref<1x256x48xf32, #tpu.memory_space<vmem>>
    %dma_start3A_295 = tpu.memref_squeeze %dma_start3A_294 : memref<1x256x48xf32, #tpu.memory_space<vmem>> -> memref<256x48xf32, #tpu.memory_space<vmem>>
    tpu.enqueue_dma source(%dma_start3A_295 : memref<256x48xf32, #tpu.memory_space<vmem>>) target(%dma_start3A_291 : memref<256x48xf32, #tpu.memory_space<hbm>>) target_semaphore(%arg16 : memref<!tpu.dma_semaphore, #tpu.memory_space<semaphore_mem>>)
    %dma_start3A_296 = arith.constant 1 : i32
    %dma_start3A_297 = arith.constant 0 : i32
    %dma_start3A_298 = arith.constant 0 : i32
    %dma_start3A_299 = tpu.memref_slice %arg10[%dma_start3A_296, %dma_start3A_297, %dma_start3A_298] : memref<3x256x48xf32, #tpu.memory_space<vmem>> -> memref<1x256x48xf32, #tpu.memory_space<vmem>>
    %dma_start3A_300 = tpu.memref_squeeze %dma_start3A_299 : memref<1x256x48xf32, #tpu.memory_space<vmem>> -> memref<256x48xf32, #tpu.memory_space<vmem>>
    %dma_start3A_301 = arith.constant 80 : i32
    %dma_start3A_302 = tpu.memref_slice %arg6[%add3A_269, %dma_start3A_301] : memref<32768x128xf32, #tpu.memory_space<hbm>> -> memref<256x48xf32, #tpu.memory_space<hbm>>
    %dma_start3A_303 = arith.constant 80 : i32
    %dma_start3A_304 = tpu.memref_slice %arg6[%add3A_269, %dma_start3A_303] : memref<32768x128xf32, #tpu.memory_space<hbm>> -> memref<256x48xf32, #tpu.memory_space<hbm>>
    %dma_start3A_305 = arith.constant 0 : i32
    %dma_start3A_306 = arith.constant 0 : i32
    %dma_start3A_307 = tpu.memref_slice %arg10[%dma_start3A_296, %dma_start3A_305, %dma_start3A_306] : memref<3x256x48xf32, #tpu.memory_space<vmem>> -> memref<1x256x48xf32, #tpu.memory_space<vmem>>
    %dma_start3A_308 = tpu.memref_squeeze %dma_start3A_307 : memref<1x256x48xf32, #tpu.memory_space<vmem>> -> memref<256x48xf32, #tpu.memory_space<vmem>>
    tpu.enqueue_dma source(%dma_start3A_308 : memref<256x48xf32, #tpu.memory_space<vmem>>) target(%dma_start3A_304 : memref<256x48xf32, #tpu.memory_space<hbm>>) target_semaphore(%arg16 : memref<!tpu.dma_semaphore, #tpu.memory_space<semaphore_mem>>)
    %dma_wait3A_309 = arith.constant 0 : i32
    %dma_wait3A_310 = arith.constant 0 : i32
    %dma_wait3A_311 = arith.constant 0 : i32
    %dma_wait3A_312 = tpu.memref_slice %arg8[%dma_wait3A_309, %dma_wait3A_310, %dma_wait3A_311] : memref<3x256x32xf32, #tpu.memory_space<vmem>> -> memref<1x256x32xf32, #tpu.memory_space<vmem>>
    %dma_wait3A_313 = tpu.memref_squeeze %dma_wait3A_312 : memref<1x256x32xf32, #tpu.memory_space<vmem>> -> memref<256x32xf32, #tpu.memory_space<vmem>>
    %dma_wait3A_314 = arith.constant 0 : i32
    %dma_wait3A_315 = tpu.memref_slice %arg6[%add3A_168, %dma_wait3A_314] : memref<32768x128xf32, #tpu.memory_space<hbm>> -> memref<256x32xf32, #tpu.memory_space<hbm>>
    %dma_wait3A_316 = arith.constant 0 : i32
    %dma_wait3A_317 = tpu.memref_slice %arg6[%add3A_168, %dma_wait3A_316] : memref<32768x128xf32, #tpu.memory_space<hbm>> -> memref<256x32xf32, #tpu.memory_space<hbm>>
    %dma_wait3A_318 = arith.constant 0 : i32
    %dma_wait3A_319 = arith.constant 0 : i32
    %dma_wait3A_320 = tpu.memref_slice %arg8[%dma_wait3A_309, %dma_wait3A_318, %dma_wait3A_319] : memref<3x256x32xf32, #tpu.memory_space<vmem>> -> memref<1x256x32xf32, #tpu.memory_space<vmem>>
    %dma_wait3A_321 = tpu.memref_squeeze %dma_wait3A_320 : memref<1x256x32xf32, #tpu.memory_space<vmem>> -> memref<256x32xf32, #tpu.memory_space<vmem>>
    tpu.wait_dma2 semaphore(%arg15 : memref<!tpu.dma_semaphore, #tpu.memory_space<semaphore_mem>>) src(%dma_wait3A_321 : memref<256x32xf32, #tpu.memory_space<vmem>>) dst(%dma_wait3A_317 : memref<256x32xf32, #tpu.memory_space<hbm>>)
    %dma_wait3A_322 = arith.constant 0 : i32
    %dma_wait3A_323 = arith.constant 0 : i32
    %dma_wait3A_324 = arith.constant 0 : i32
    %dma_wait3A_325 = tpu.memref_slice %arg9[%dma_wait3A_322, %dma_wait3A_323, %dma_wait3A_324] : memref<3x256x48xf32, #tpu.memory_space<vmem>> -> memref<1x256x48xf32, #tpu.memory_space<vmem>>
    %dma_wait3A_326 = tpu.memref_squeeze %dma_wait3A_325 : memref<1x256x48xf32, #tpu.memory_space<vmem>> -> memref<256x48xf32, #tpu.memory_space<vmem>>
    %dma_wait3A_327 = arith.constant 32 : i32
    %dma_wait3A_328 = tpu.memref_slice %arg6[%add3A_168, %dma_wait3A_327] : memref<32768x128xf32, #tpu.memory_space<hbm>> -> memref<256x48xf32, #tpu.memory_space<hbm>>
    %dma_wait3A_329 = arith.constant 32 : i32
    %dma_wait3A_330 = tpu.memref_slice %arg6[%add3A_168, %dma_wait3A_329] : memref<32768x128xf32, #tpu.memory_space<hbm>> -> memref<256x48xf32, #tpu.memory_space<hbm>>
    %dma_wait3A_331 = arith.constant 0 : i32
    %dma_wait3A_332 = arith.constant 0 : i32
    %dma_wait3A_333 = tpu.memref_slice %arg9[%dma_wait3A_322, %dma_wait3A_331, %dma_wait3A_332] : memref<3x256x48xf32, #tpu.memory_space<vmem>> -> memref<1x256x48xf32, #tpu.memory_space<vmem>>
    %dma_wait3A_334 = tpu.memref_squeeze %dma_wait3A_333 : memref<1x256x48xf32, #tpu.memory_space<vmem>> -> memref<256x48xf32, #tpu.memory_space<vmem>>
    tpu.wait_dma2 semaphore(%arg15 : memref<!tpu.dma_semaphore, #tpu.memory_space<semaphore_mem>>) src(%dma_wait3A_334 : memref<256x48xf32, #tpu.memory_space<vmem>>) dst(%dma_wait3A_330 : memref<256x48xf32, #tpu.memory_space<hbm>>)
    %dma_wait3A_335 = arith.constant 0 : i32
    %dma_wait3A_336 = arith.constant 0 : i32
    %dma_wait3A_337 = arith.constant 0 : i32
    %dma_wait3A_338 = tpu.memref_slice %arg10[%dma_wait3A_335, %dma_wait3A_336, %dma_wait3A_337] : memref<3x256x48xf32, #tpu.memory_space<vmem>> -> memref<1x256x48xf32, #tpu.memory_space<vmem>>
    %dma_wait3A_339 = tpu.memref_squeeze %dma_wait3A_338 : memref<1x256x48xf32, #tpu.memory_space<vmem>> -> memref<256x48xf32, #tpu.memory_space<vmem>>
    %dma_wait3A_340 = arith.constant 80 : i32
    %dma_wait3A_341 = tpu.memref_slice %arg6[%add3A_168, %dma_wait3A_340] : memref<32768x128xf32, #tpu.memory_space<hbm>> -> memref<256x48xf32, #tpu.memory_space<hbm>>
    %dma_wait3A_342 = arith.constant 80 : i32
    %dma_wait3A_343 = tpu.memref_slice %arg6[%add3A_168, %dma_wait3A_342] : memref<32768x128xf32, #tpu.memory_space<hbm>> -> memref<256x48xf32, #tpu.memory_space<hbm>>
    %dma_wait3A_344 = arith.constant 0 : i32
    %dma_wait3A_345 = arith.constant 0 : i32
    %dma_wait3A_346 = tpu.memref_slice %arg10[%dma_wait3A_335, %dma_wait3A_344, %dma_wait3A_345] : memref<3x256x48xf32, #tpu.memory_space<vmem>> -> memref<1x256x48xf32, #tpu.memory_space<vmem>>
    %dma_wait3A_347 = tpu.memref_squeeze %dma_wait3A_346 : memref<1x256x48xf32, #tpu.memory_space<vmem>> -> memref<256x48xf32, #tpu.memory_space<vmem>>
    tpu.wait_dma2 semaphore(%arg15 : memref<!tpu.dma_semaphore, #tpu.memory_space<semaphore_mem>>) src(%dma_wait3A_347 : memref<256x48xf32, #tpu.memory_space<vmem>>) dst(%dma_wait3A_343 : memref<256x48xf32, #tpu.memory_space<hbm>>)
    %dma_start3A_348 = arith.constant 0 : i32
    %dma_start3A_349 = arith.constant 0 : i32
    %dma_start3A_350 = arith.constant 0 : i32
    %dma_start3A_351 = tpu.memref_slice %arg8[%dma_start3A_348, %dma_start3A_349, %dma_start3A_350] : memref<3x256x32xf32, #tpu.memory_space<vmem>> -> memref<1x256x32xf32, #tpu.memory_space<vmem>>
    %dma_start3A_352 = tpu.memref_squeeze %dma_start3A_351 : memref<1x256x32xf32, #tpu.memory_space<vmem>> -> memref<256x32xf32, #tpu.memory_space<vmem>>
    %dma_start3A_353 = arith.constant 768 : i32
    %dma_start3A_354 = tpu.memref_slice %arg7[%dma_start3A_353] : memref<3072xi32, #tpu.memory_space<vmem>> -> memref<256xi32, #tpu.memory_space<vmem>>
    %dma_start3A_355 = arith.constant 0 : i32
    %dma_start3A_356 = arith.constant 0 : i32
    %dma_start3A_357 = tpu.memref_slice %arg3[%dma_start3A_355, %dma_start3A_356] : memref<8192x32xf32, #tpu.memory_space<hbm>> -> memref<8192x32xf32, #tpu.memory_space<hbm>>
    tpu.enqueue_indirect_dma source(%dma_start3A_357 : memref<8192x32xf32, #tpu.memory_space<hbm>>) target(%dma_start3A_352 : memref<256x32xf32, #tpu.memory_space<vmem>>) offsets(%dma_start3A_354 : memref<256xi32, #tpu.memory_space<vmem>>) semaphore(%arg12 : memref<!tpu.dma_semaphore, #tpu.memory_space<semaphore_mem>>)
    %dma_start3A_358 = arith.constant 0 : i32
    %dma_start3A_359 = arith.constant 0 : i32
    %dma_start3A_360 = arith.constant 0 : i32
    %dma_start3A_361 = tpu.memref_slice %arg9[%dma_start3A_358, %dma_start3A_359, %dma_start3A_360] : memref<3x256x48xf32, #tpu.memory_space<vmem>> -> memref<1x256x48xf32, #tpu.memory_space<vmem>>
    %dma_start3A_362 = tpu.memref_squeeze %dma_start3A_361 : memref<1x256x48xf32, #tpu.memory_space<vmem>> -> memref<256x48xf32, #tpu.memory_space<vmem>>
    %dma_start3A_363 = arith.constant 1792 : i32
    %dma_start3A_364 = tpu.memref_slice %arg7[%dma_start3A_363] : memref<3072xi32, #tpu.memory_space<vmem>> -> memref<256xi32, #tpu.memory_space<vmem>>
    %dma_start3A_365 = arith.constant 0 : i32
    %dma_start3A_366 = arith.constant 0 : i32
    %dma_start3A_367 = tpu.memref_slice %arg4[%dma_start3A_365, %dma_start3A_366] : memref<8192x48xf32, #tpu.memory_space<hbm>> -> memref<8192x48xf32, #tpu.memory_space<hbm>>
    tpu.enqueue_indirect_dma source(%dma_start3A_367 : memref<8192x48xf32, #tpu.memory_space<hbm>>) target(%dma_start3A_362 : memref<256x48xf32, #tpu.memory_space<vmem>>) offsets(%dma_start3A_364 : memref<256xi32, #tpu.memory_space<vmem>>) semaphore(%arg12 : memref<!tpu.dma_semaphore, #tpu.memory_space<semaphore_mem>>)
    %dma_start3A_368 = arith.constant 0 : i32
    %dma_start3A_369 = arith.constant 0 : i32
    %dma_start3A_370 = arith.constant 0 : i32
    %dma_start3A_371 = tpu.memref_slice %arg10[%dma_start3A_368, %dma_start3A_369, %dma_start3A_370] : memref<3x256x48xf32, #tpu.memory_space<vmem>> -> memref<1x256x48xf32, #tpu.memory_space<vmem>>
    %dma_start3A_372 = tpu.memref_squeeze %dma_start3A_371 : memref<1x256x48xf32, #tpu.memory_space<vmem>> -> memref<256x48xf32, #tpu.memory_space<vmem>>
    %dma_start3A_373 = arith.constant 2816 : i32
    %dma_start3A_374 = tpu.memref_slice %arg7[%dma_start3A_373] : memref<3072xi32, #tpu.memory_space<vmem>> -> memref<256xi32, #tpu.memory_space<vmem>>
    %dma_start3A_375 = arith.constant 0 : i32
    %dma_start3A_376 = arith.constant 0 : i32
    %dma_start3A_377 = tpu.memref_slice %arg5[%dma_start3A_375, %dma_start3A_376] : memref<8192x48xf32, #tpu.memory_space<hbm>> -> memref<8192x48xf32, #tpu.memory_space<hbm>>
    tpu.enqueue_indirect_dma source(%dma_start3A_377 : memref<8192x48xf32, #tpu.memory_space<hbm>>) target(%dma_start3A_372 : memref<256x48xf32, #tpu.memory_space<vmem>>) offsets(%dma_start3A_374 : memref<256xi32, #tpu.memory_space<vmem>>) semaphore(%arg12 : memref<!tpu.dma_semaphore, #tpu.memory_space<semaphore_mem>>)
    %dma_wait3A_378 = arith.constant 2 : i32
    %dma_wait3A_379 = arith.constant 0 : i32
    %dma_wait3A_380 = arith.constant 0 : i32
    %dma_wait3A_381 = tpu.memref_slice %arg8[%dma_wait3A_378, %dma_wait3A_379, %dma_wait3A_380] : memref<3x256x32xf32, #tpu.memory_space<vmem>> -> memref<1x256x32xf32, #tpu.memory_space<vmem>>
    %dma_wait3A_382 = tpu.memref_squeeze %dma_wait3A_381 : memref<1x256x32xf32, #tpu.memory_space<vmem>> -> memref<256x32xf32, #tpu.memory_space<vmem>>
    %dma_wait3A_383 = arith.constant 512 : i32
    %dma_wait3A_384 = tpu.memref_slice %arg7[%dma_wait3A_383] : memref<3072xi32, #tpu.memory_space<vmem>> -> memref<256xi32, #tpu.memory_space<vmem>>
    %dma_wait3A_385 = arith.constant 0 : i32
    %dma_wait3A_386 = arith.constant 0 : i32
    %dma_wait3A_387 = tpu.memref_slice %arg3[%dma_wait3A_385, %dma_wait3A_386] : memref<8192x32xf32, #tpu.memory_space<hbm>> -> memref<8192x32xf32, #tpu.memory_space<hbm>>
    tpu.wait_indirect_dma semaphore(%arg14 : memref<!tpu.dma_semaphore, #tpu.memory_space<semaphore_mem>>) src(%dma_wait3A_387 : memref<8192x32xf32, #tpu.memory_space<hbm>>) dst(%dma_wait3A_382 : memref<256x32xf32, #tpu.memory_space<vmem>>)
    %dma_wait3A_388 = arith.constant 2 : i32
    %dma_wait3A_389 = arith.constant 0 : i32
    %dma_wait3A_390 = arith.constant 0 : i32
    %dma_wait3A_391 = tpu.memref_slice %arg9[%dma_wait3A_388, %dma_wait3A_389, %dma_wait3A_390] : memref<3x256x48xf32, #tpu.memory_space<vmem>> -> memref<1x256x48xf32, #tpu.memory_space<vmem>>
    %dma_wait3A_392 = tpu.memref_squeeze %dma_wait3A_391 : memref<1x256x48xf32, #tpu.memory_space<vmem>> -> memref<256x48xf32, #tpu.memory_space<vmem>>
    %dma_wait3A_393 = arith.constant 1536 : i32
    %dma_wait3A_394 = tpu.memref_slice %arg7[%dma_wait3A_393] : memref<3072xi32, #tpu.memory_space<vmem>> -> memref<256xi32, #tpu.memory_space<vmem>>
    %dma_wait3A_395 = arith.constant 0 : i32
    %dma_wait3A_396 = arith.constant 0 : i32
    %dma_wait3A_397 = tpu.memref_slice %arg4[%dma_wait3A_395, %dma_wait3A_396] : memref<8192x48xf32, #tpu.memory_space<hbm>> -> memref<8192x48xf32, #tpu.memory_space<hbm>>
    tpu.wait_indirect_dma semaphore(%arg14 : memref<!tpu.dma_semaphore, #tpu.memory_space<semaphore_mem>>) src(%dma_wait3A_397 : memref<8192x48xf32, #tpu.memory_space<hbm>>) dst(%dma_wait3A_392 : memref<256x48xf32, #tpu.memory_space<vmem>>)
    %dma_wait3A_398 = arith.constant 2 : i32
    %dma_wait3A_399 = arith.constant 0 : i32
    %dma_wait3A_400 = arith.constant 0 : i32
    %dma_wait3A_401 = tpu.memref_slice %arg10[%dma_wait3A_398, %dma_wait3A_399, %dma_wait3A_400] : memref<3x256x48xf32, #tpu.memory_space<vmem>> -> memref<1x256x48xf32, #tpu.memory_space<vmem>>
    %dma_wait3A_402 = tpu.memref_squeeze %dma_wait3A_401 : memref<1x256x48xf32, #tpu.memory_space<vmem>> -> memref<256x48xf32, #tpu.memory_space<vmem>>
    %dma_wait3A_403 = arith.constant 2560 : i32
    %dma_wait3A_404 = tpu.memref_slice %arg7[%dma_wait3A_403] : memref<3072xi32, #tpu.memory_space<vmem>> -> memref<256xi32, #tpu.memory_space<vmem>>
    %dma_wait3A_405 = arith.constant 0 : i32
    %dma_wait3A_406 = arith.constant 0 : i32
    %dma_wait3A_407 = tpu.memref_slice %arg5[%dma_wait3A_405, %dma_wait3A_406] : memref<8192x48xf32, #tpu.memory_space<hbm>> -> memref<8192x48xf32, #tpu.memory_space<hbm>>
    tpu.wait_indirect_dma semaphore(%arg14 : memref<!tpu.dma_semaphore, #tpu.memory_space<semaphore_mem>>) src(%dma_wait3A_407 : memref<8192x48xf32, #tpu.memory_space<hbm>>) dst(%dma_wait3A_402 : memref<256x48xf32, #tpu.memory_space<vmem>>)
    %add3A_408 = arith.constant 512 : i32
    %add3A_409 = arith.addi %mul3A_18, %add3A_408 : i32
    %dma_start3A_410 = arith.constant 2 : i32
    %dma_start3A_411 = arith.constant 0 : i32
    %dma_start3A_412 = arith.constant 0 : i32
    %dma_start3A_413 = tpu.memref_slice %arg8[%dma_start3A_410, %dma_start3A_411, %dma_start3A_412] : memref<3x256x32xf32, #tpu.memory_space<vmem>> -> memref<1x256x32xf32, #tpu.memory_space<vmem>>
    %dma_start3A_414 = tpu.memref_squeeze %dma_start3A_413 : memref<1x256x32xf32, #tpu.memory_space<vmem>> -> memref<256x32xf32, #tpu.memory_space<vmem>>
    %dma_start3A_415 = arith.constant 0 : i32
    %dma_start3A_416 = tpu.memref_slice %arg6[%add3A_409, %dma_start3A_415] : memref<32768x128xf32, #tpu.memory_space<hbm>> -> memref<256x32xf32, #tpu.memory_space<hbm>>
    %dma_start3A_417 = arith.constant 0 : i32
    %dma_start3A_418 = tpu.memref_slice %arg6[%add3A_409, %dma_start3A_417] : memref<32768x128xf32, #tpu.memory_space<hbm>> -> memref<256x32xf32, #tpu.memory_space<hbm>>
    %dma_start3A_419 = arith.constant 0 : i32
    %dma_start3A_420 = arith.constant 0 : i32
    %dma_start3A_421 = tpu.memref_slice %arg8[%dma_start3A_410, %dma_start3A_419, %dma_start3A_420] : memref<3x256x32xf32, #tpu.memory_space<vmem>> -> memref<1x256x32xf32, #tpu.memory_space<vmem>>
    %dma_start3A_422 = tpu.memref_squeeze %dma_start3A_421 : memref<1x256x32xf32, #tpu.memory_space<vmem>> -> memref<256x32xf32, #tpu.memory_space<vmem>>
    tpu.enqueue_dma source(%dma_start3A_422 : memref<256x32xf32, #tpu.memory_space<vmem>>) target(%dma_start3A_418 : memref<256x32xf32, #tpu.memory_space<hbm>>) target_semaphore(%arg17 : memref<!tpu.dma_semaphore, #tpu.memory_space<semaphore_mem>>)
    %dma_start3A_423 = arith.constant 2 : i32
    %dma_start3A_424 = arith.constant 0 : i32
    %dma_start3A_425 = arith.constant 0 : i32
    %dma_start3A_426 = tpu.memref_slice %arg9[%dma_start3A_423, %dma_start3A_424, %dma_start3A_425] : memref<3x256x48xf32, #tpu.memory_space<vmem>> -> memref<1x256x48xf32, #tpu.memory_space<vmem>>
    %dma_start3A_427 = tpu.memref_squeeze %dma_start3A_426 : memref<1x256x48xf32, #tpu.memory_space<vmem>> -> memref<256x48xf32, #tpu.memory_space<vmem>>
    %dma_start3A_428 = arith.constant 32 : i32
    %dma_start3A_429 = tpu.memref_slice %arg6[%add3A_409, %dma_start3A_428] : memref<32768x128xf32, #tpu.memory_space<hbm>> -> memref<256x48xf32, #tpu.memory_space<hbm>>
    %dma_start3A_430 = arith.constant 32 : i32
    %dma_start3A_431 = tpu.memref_slice %arg6[%add3A_409, %dma_start3A_430] : memref<32768x128xf32, #tpu.memory_space<hbm>> -> memref<256x48xf32, #tpu.memory_space<hbm>>
    %dma_start3A_432 = arith.constant 0 : i32
    %dma_start3A_433 = arith.constant 0 : i32
    %dma_start3A_434 = tpu.memref_slice %arg9[%dma_start3A_423, %dma_start3A_432, %dma_start3A_433] : memref<3x256x48xf32, #tpu.memory_space<vmem>> -> memref<1x256x48xf32, #tpu.memory_space<vmem>>
    %dma_start3A_435 = tpu.memref_squeeze %dma_start3A_434 : memref<1x256x48xf32, #tpu.memory_space<vmem>> -> memref<256x48xf32, #tpu.memory_space<vmem>>
    tpu.enqueue_dma source(%dma_start3A_435 : memref<256x48xf32, #tpu.memory_space<vmem>>) target(%dma_start3A_431 : memref<256x48xf32, #tpu.memory_space<hbm>>) target_semaphore(%arg17 : memref<!tpu.dma_semaphore, #tpu.memory_space<semaphore_mem>>)
    %dma_start3A_436 = arith.constant 2 : i32
    %dma_start3A_437 = arith.constant 0 : i32
    %dma_start3A_438 = arith.constant 0 : i32
    %dma_start3A_439 = tpu.memref_slice %arg10[%dma_start3A_436, %dma_start3A_437, %dma_start3A_438] : memref<3x256x48xf32, #tpu.memory_space<vmem>> -> memref<1x256x48xf32, #tpu.memory_space<vmem>>
    %dma_start3A_440 = tpu.memref_squeeze %dma_start3A_439 : memref<1x256x48xf32, #tpu.memory_space<vmem>> -> memref<256x48xf32, #tpu.memory_space<vmem>>
    %dma_start3A_441 = arith.constant 80 : i32
    %dma_start3A_442 = tpu.memref_slice %arg6[%add3A_409, %dma_start3A_441] : memref<32768x128xf32, #tpu.memory_space<hbm>> -> memref<256x48xf32, #tpu.memory_space<hbm>>
    %dma_start3A_443 = arith.constant 80 : i32
    %dma_start3A_444 = tpu.memref_slice %arg6[%add3A_409, %dma_start3A_443] : memref<32768x128xf32, #tpu.memory_space<hbm>> -> memref<256x48xf32, #tpu.memory_space<hbm>>
    %dma_start3A_445 = arith.constant 0 : i32
    %dma_start3A_446 = arith.constant 0 : i32
    %dma_start3A_447 = tpu.memref_slice %arg10[%dma_start3A_436, %dma_start3A_445, %dma_start3A_446] : memref<3x256x48xf32, #tpu.memory_space<vmem>> -> memref<1x256x48xf32, #tpu.memory_space<vmem>>
    %dma_start3A_448 = tpu.memref_squeeze %dma_start3A_447 : memref<1x256x48xf32, #tpu.memory_space<vmem>> -> memref<256x48xf32, #tpu.memory_space<vmem>>
    tpu.enqueue_dma source(%dma_start3A_448 : memref<256x48xf32, #tpu.memory_space<vmem>>) target(%dma_start3A_444 : memref<256x48xf32, #tpu.memory_space<hbm>>) target_semaphore(%arg17 : memref<!tpu.dma_semaphore, #tpu.memory_space<semaphore_mem>>)
    %dma_wait3A_449 = arith.constant 0 : i32
    %dma_wait3A_450 = arith.constant 0 : i32
    %dma_wait3A_451 = arith.constant 0 : i32
    %dma_wait3A_452 = tpu.memref_slice %arg8[%dma_wait3A_449, %dma_wait3A_450, %dma_wait3A_451] : memref<3x256x32xf32, #tpu.memory_space<vmem>> -> memref<1x256x32xf32, #tpu.memory_space<vmem>>
    %dma_wait3A_453 = tpu.memref_squeeze %dma_wait3A_452 : memref<1x256x32xf32, #tpu.memory_space<vmem>> -> memref<256x32xf32, #tpu.memory_space<vmem>>
    %dma_wait3A_454 = arith.constant 768 : i32
    %dma_wait3A_455 = tpu.memref_slice %arg7[%dma_wait3A_454] : memref<3072xi32, #tpu.memory_space<vmem>> -> memref<256xi32, #tpu.memory_space<vmem>>
    %dma_wait3A_456 = arith.constant 0 : i32
    %dma_wait3A_457 = arith.constant 0 : i32
    %dma_wait3A_458 = tpu.memref_slice %arg3[%dma_wait3A_456, %dma_wait3A_457] : memref<8192x32xf32, #tpu.memory_space<hbm>> -> memref<8192x32xf32, #tpu.memory_space<hbm>>
    tpu.wait_indirect_dma semaphore(%arg12 : memref<!tpu.dma_semaphore, #tpu.memory_space<semaphore_mem>>) src(%dma_wait3A_458 : memref<8192x32xf32, #tpu.memory_space<hbm>>) dst(%dma_wait3A_453 : memref<256x32xf32, #tpu.memory_space<vmem>>)
    %dma_wait3A_459 = arith.constant 0 : i32
    %dma_wait3A_460 = arith.constant 0 : i32
    %dma_wait3A_461 = arith.constant 0 : i32
    %dma_wait3A_462 = tpu.memref_slice %arg9[%dma_wait3A_459, %dma_wait3A_460, %dma_wait3A_461] : memref<3x256x48xf32, #tpu.memory_space<vmem>> -> memref<1x256x48xf32, #tpu.memory_space<vmem>>
    %dma_wait3A_463 = tpu.memref_squeeze %dma_wait3A_462 : memref<1x256x48xf32, #tpu.memory_space<vmem>> -> memref<256x48xf32, #tpu.memory_space<vmem>>
    %dma_wait3A_464 = arith.constant 1792 : i32
    %dma_wait3A_465 = tpu.memref_slice %arg7[%dma_wait3A_464] : memref<3072xi32, #tpu.memory_space<vmem>> -> memref<256xi32, #tpu.memory_space<vmem>>
    %dma_wait3A_466 = arith.constant 0 : i32
    %dma_wait3A_467 = arith.constant 0 : i32
    %dma_wait3A_468 = tpu.memref_slice %arg4[%dma_wait3A_466, %dma_wait3A_467] : memref<8192x48xf32, #tpu.memory_space<hbm>> -> memref<8192x48xf32, #tpu.memory_space<hbm>>
    tpu.wait_indirect_dma semaphore(%arg12 : memref<!tpu.dma_semaphore, #tpu.memory_space<semaphore_mem>>) src(%dma_wait3A_468 : memref<8192x48xf32, #tpu.memory_space<hbm>>) dst(%dma_wait3A_463 : memref<256x48xf32, #tpu.memory_space<vmem>>)
    %dma_wait3A_469 = arith.constant 0 : i32
    %dma_wait3A_470 = arith.constant 0 : i32
    %dma_wait3A_471 = arith.constant 0 : i32
    %dma_wait3A_472 = tpu.memref_slice %arg10[%dma_wait3A_469, %dma_wait3A_470, %dma_wait3A_471] : memref<3x256x48xf32, #tpu.memory_space<vmem>> -> memref<1x256x48xf32, #tpu.memory_space<vmem>>
    %dma_wait3A_473 = tpu.memref_squeeze %dma_wait3A_472 : memref<1x256x48xf32, #tpu.memory_space<vmem>> -> memref<256x48xf32, #tpu.memory_space<vmem>>
    %dma_wait3A_474 = arith.constant 2816 : i32
    %dma_wait3A_475 = tpu.memref_slice %arg7[%dma_wait3A_474] : memref<3072xi32, #tpu.memory_space<vmem>> -> memref<256xi32, #tpu.memory_space<vmem>>
    %dma_wait3A_476 = arith.constant 0 : i32
    %dma_wait3A_477 = arith.constant 0 : i32
    %dma_wait3A_478 = tpu.memref_slice %arg5[%dma_wait3A_476, %dma_wait3A_477] : memref<8192x48xf32, #tpu.memory_space<hbm>> -> memref<8192x48xf32, #tpu.memory_space<hbm>>
    tpu.wait_indirect_dma semaphore(%arg12 : memref<!tpu.dma_semaphore, #tpu.memory_space<semaphore_mem>>) src(%dma_wait3A_478 : memref<8192x48xf32, #tpu.memory_space<hbm>>) dst(%dma_wait3A_473 : memref<256x48xf32, #tpu.memory_space<vmem>>)
    %add3A_479 = arith.constant 768 : i32
    %add3A_480 = arith.addi %mul3A_18, %add3A_479 : i32
    %dma_start3A_481 = arith.constant 0 : i32
    %dma_start3A_482 = arith.constant 0 : i32
    %dma_start3A_483 = arith.constant 0 : i32
    %dma_start3A_484 = tpu.memref_slice %arg8[%dma_start3A_481, %dma_start3A_482, %dma_start3A_483] : memref<3x256x32xf32, #tpu.memory_space<vmem>> -> memref<1x256x32xf32, #tpu.memory_space<vmem>>
    %dma_start3A_485 = tpu.memref_squeeze %dma_start3A_484 : memref<1x256x32xf32, #tpu.memory_space<vmem>> -> memref<256x32xf32, #tpu.memory_space<vmem>>
    %dma_start3A_486 = arith.constant 0 : i32
    %dma_start3A_487 = tpu.memref_slice %arg6[%add3A_480, %dma_start3A_486] : memref<32768x128xf32, #tpu.memory_space<hbm>> -> memref<256x32xf32, #tpu.memory_space<hbm>>
    %dma_start3A_488 = arith.constant 0 : i32
    %dma_start3A_489 = tpu.memref_slice %arg6[%add3A_480, %dma_start3A_488] : memref<32768x128xf32, #tpu.memory_space<hbm>> -> memref<256x32xf32, #tpu.memory_space<hbm>>
    %dma_start3A_490 = arith.constant 0 : i32
    %dma_start3A_491 = arith.constant 0 : i32
    %dma_start3A_492 = tpu.memref_slice %arg8[%dma_start3A_481, %dma_start3A_490, %dma_start3A_491] : memref<3x256x32xf32, #tpu.memory_space<vmem>> -> memref<1x256x32xf32, #tpu.memory_space<vmem>>
    %dma_start3A_493 = tpu.memref_squeeze %dma_start3A_492 : memref<1x256x32xf32, #tpu.memory_space<vmem>> -> memref<256x32xf32, #tpu.memory_space<vmem>>
    tpu.enqueue_dma source(%dma_start3A_493 : memref<256x32xf32, #tpu.memory_space<vmem>>) target(%dma_start3A_489 : memref<256x32xf32, #tpu.memory_space<hbm>>) target_semaphore(%arg15 : memref<!tpu.dma_semaphore, #tpu.memory_space<semaphore_mem>>)
    %dma_start3A_494 = arith.constant 0 : i32
    %dma_start3A_495 = arith.constant 0 : i32
    %dma_start3A_496 = arith.constant 0 : i32
    %dma_start3A_497 = tpu.memref_slice %arg9[%dma_start3A_494, %dma_start3A_495, %dma_start3A_496] : memref<3x256x48xf32, #tpu.memory_space<vmem>> -> memref<1x256x48xf32, #tpu.memory_space<vmem>>
    %dma_start3A_498 = tpu.memref_squeeze %dma_start3A_497 : memref<1x256x48xf32, #tpu.memory_space<vmem>> -> memref<256x48xf32, #tpu.memory_space<vmem>>
    %dma_start3A_499 = arith.constant 32 : i32
    %dma_start3A_500 = tpu.memref_slice %arg6[%add3A_480, %dma_start3A_499] : memref<32768x128xf32, #tpu.memory_space<hbm>> -> memref<256x48xf32, #tpu.memory_space<hbm>>
    %dma_start3A_501 = arith.constant 32 : i32
    %dma_start3A_502 = tpu.memref_slice %arg6[%add3A_480, %dma_start3A_501] : memref<32768x128xf32, #tpu.memory_space<hbm>> -> memref<256x48xf32, #tpu.memory_space<hbm>>
    %dma_start3A_503 = arith.constant 0 : i32
    %dma_start3A_504 = arith.constant 0 : i32
    %dma_start3A_505 = tpu.memref_slice %arg9[%dma_start3A_494, %dma_start3A_503, %dma_start3A_504] : memref<3x256x48xf32, #tpu.memory_space<vmem>> -> memref<1x256x48xf32, #tpu.memory_space<vmem>>
    %dma_start3A_506 = tpu.memref_squeeze %dma_start3A_505 : memref<1x256x48xf32, #tpu.memory_space<vmem>> -> memref<256x48xf32, #tpu.memory_space<vmem>>
    tpu.enqueue_dma source(%dma_start3A_506 : memref<256x48xf32, #tpu.memory_space<vmem>>) target(%dma_start3A_502 : memref<256x48xf32, #tpu.memory_space<hbm>>) target_semaphore(%arg15 : memref<!tpu.dma_semaphore, #tpu.memory_space<semaphore_mem>>)
    %dma_start3A_507 = arith.constant 0 : i32
    %dma_start3A_508 = arith.constant 0 : i32
    %dma_start3A_509 = arith.constant 0 : i32
    %dma_start3A_510 = tpu.memref_slice %arg10[%dma_start3A_507, %dma_start3A_508, %dma_start3A_509] : memref<3x256x48xf32, #tpu.memory_space<vmem>> -> memref<1x256x48xf32, #tpu.memory_space<vmem>>
    %dma_start3A_511 = tpu.memref_squeeze %dma_start3A_510 : memref<1x256x48xf32, #tpu.memory_space<vmem>> -> memref<256x48xf32, #tpu.memory_space<vmem>>
    %dma_start3A_512 = arith.constant 80 : i32
    %dma_start3A_513 = tpu.memref_slice %arg6[%add3A_480, %dma_start3A_512] : memref<32768x128xf32, #tpu.memory_space<hbm>> -> memref<256x48xf32, #tpu.memory_space<hbm>>
    %dma_start3A_514 = arith.constant 80 : i32
    %dma_start3A_515 = tpu.memref_slice %arg6[%add3A_480, %dma_start3A_514] : memref<32768x128xf32, #tpu.memory_space<hbm>> -> memref<256x48xf32, #tpu.memory_space<hbm>>
    %dma_start3A_516 = arith.constant 0 : i32
    %dma_start3A_517 = arith.constant 0 : i32
    %dma_start3A_518 = tpu.memref_slice %arg10[%dma_start3A_507, %dma_start3A_516, %dma_start3A_517] : memref<3x256x48xf32, #tpu.memory_space<vmem>> -> memref<1x256x48xf32, #tpu.memory_space<vmem>>
    %dma_start3A_519 = tpu.memref_squeeze %dma_start3A_518 : memref<1x256x48xf32, #tpu.memory_space<vmem>> -> memref<256x48xf32, #tpu.memory_space<vmem>>
    tpu.enqueue_dma source(%dma_start3A_519 : memref<256x48xf32, #tpu.memory_space<vmem>>) target(%dma_start3A_515 : memref<256x48xf32, #tpu.memory_space<hbm>>) target_semaphore(%arg15 : memref<!tpu.dma_semaphore, #tpu.memory_space<semaphore_mem>>)
    %dma_wait3A_520 = arith.constant 0 : i32
    %dma_wait3A_521 = arith.constant 0 : i32
    %dma_wait3A_522 = arith.constant 0 : i32
    %dma_wait3A_523 = tpu.memref_slice %arg8[%dma_wait3A_520, %dma_wait3A_521, %dma_wait3A_522] : memref<3x256x32xf32, #tpu.memory_space<vmem>> -> memref<1x256x32xf32, #tpu.memory_space<vmem>>
    %dma_wait3A_524 = tpu.memref_squeeze %dma_wait3A_523 : memref<1x256x32xf32, #tpu.memory_space<vmem>> -> memref<256x32xf32, #tpu.memory_space<vmem>>
    %dma_wait3A_525 = arith.constant 0 : i32
    %dma_wait3A_526 = tpu.memref_slice %arg6[%add3A_480, %dma_wait3A_525] : memref<32768x128xf32, #tpu.memory_space<hbm>> -> memref<256x32xf32, #tpu.memory_space<hbm>>
    %dma_wait3A_527 = arith.constant 0 : i32
    %dma_wait3A_528 = tpu.memref_slice %arg6[%add3A_480, %dma_wait3A_527] : memref<32768x128xf32, #tpu.memory_space<hbm>> -> memref<256x32xf32, #tpu.memory_space<hbm>>
    %dma_wait3A_529 = arith.constant 0 : i32
    %dma_wait3A_530 = arith.constant 0 : i32
    %dma_wait3A_531 = tpu.memref_slice %arg8[%dma_wait3A_520, %dma_wait3A_529, %dma_wait3A_530] : memref<3x256x32xf32, #tpu.memory_space<vmem>> -> memref<1x256x32xf32, #tpu.memory_space<vmem>>
    %dma_wait3A_532 = tpu.memref_squeeze %dma_wait3A_531 : memref<1x256x32xf32, #tpu.memory_space<vmem>> -> memref<256x32xf32, #tpu.memory_space<vmem>>
    tpu.wait_dma2 semaphore(%arg15 : memref<!tpu.dma_semaphore, #tpu.memory_space<semaphore_mem>>) src(%dma_wait3A_532 : memref<256x32xf32, #tpu.memory_space<vmem>>) dst(%dma_wait3A_528 : memref<256x32xf32, #tpu.memory_space<hbm>>)
    %dma_wait3A_533 = arith.constant 0 : i32
    %dma_wait3A_534 = arith.constant 0 : i32
    %dma_wait3A_535 = arith.constant 0 : i32
    %dma_wait3A_536 = tpu.memref_slice %arg9[%dma_wait3A_533, %dma_wait3A_534, %dma_wait3A_535] : memref<3x256x48xf32, #tpu.memory_space<vmem>> -> memref<1x256x48xf32, #tpu.memory_space<vmem>>
    %dma_wait3A_537 = tpu.memref_squeeze %dma_wait3A_536 : memref<1x256x48xf32, #tpu.memory_space<vmem>> -> memref<256x48xf32, #tpu.memory_space<vmem>>
    %dma_wait3A_538 = arith.constant 32 : i32
    %dma_wait3A_539 = tpu.memref_slice %arg6[%add3A_480, %dma_wait3A_538] : memref<32768x128xf32, #tpu.memory_space<hbm>> -> memref<256x48xf32, #tpu.memory_space<hbm>>
    %dma_wait3A_540 = arith.constant 32 : i32
    %dma_wait3A_541 = tpu.memref_slice %arg6[%add3A_480, %dma_wait3A_540] : memref<32768x128xf32, #tpu.memory_space<hbm>> -> memref<256x48xf32, #tpu.memory_space<hbm>>
    %dma_wait3A_542 = arith.constant 0 : i32
    %dma_wait3A_543 = arith.constant 0 : i32
    %dma_wait3A_544 = tpu.memref_slice %arg9[%dma_wait3A_533, %dma_wait3A_542, %dma_wait3A_543] : memref<3x256x48xf32, #tpu.memory_space<vmem>> -> memref<1x256x48xf32, #tpu.memory_space<vmem>>
    %dma_wait3A_545 = tpu.memref_squeeze %dma_wait3A_544 : memref<1x256x48xf32, #tpu.memory_space<vmem>> -> memref<256x48xf32, #tpu.memory_space<vmem>>
    tpu.wait_dma2 semaphore(%arg15 : memref<!tpu.dma_semaphore, #tpu.memory_space<semaphore_mem>>) src(%dma_wait3A_545 : memref<256x48xf32, #tpu.memory_space<vmem>>) dst(%dma_wait3A_541 : memref<256x48xf32, #tpu.memory_space<hbm>>)
    %dma_wait3A_546 = arith.constant 0 : i32
    %dma_wait3A_547 = arith.constant 0 : i32
    %dma_wait3A_548 = arith.constant 0 : i32
    %dma_wait3A_549 = tpu.memref_slice %arg10[%dma_wait3A_546, %dma_wait3A_547, %dma_wait3A_548] : memref<3x256x48xf32, #tpu.memory_space<vmem>> -> memref<1x256x48xf32, #tpu.memory_space<vmem>>
    %dma_wait3A_550 = tpu.memref_squeeze %dma_wait3A_549 : memref<1x256x48xf32, #tpu.memory_space<vmem>> -> memref<256x48xf32, #tpu.memory_space<vmem>>
    %dma_wait3A_551 = arith.constant 80 : i32
    %dma_wait3A_552 = tpu.memref_slice %arg6[%add3A_480, %dma_wait3A_551] : memref<32768x128xf32, #tpu.memory_space<hbm>> -> memref<256x48xf32, #tpu.memory_space<hbm>>
    %dma_wait3A_553 = arith.constant 80 : i32
    %dma_wait3A_554 = tpu.memref_slice %arg6[%add3A_480, %dma_wait3A_553] : memref<32768x128xf32, #tpu.memory_space<hbm>> -> memref<256x48xf32, #tpu.memory_space<hbm>>
    %dma_wait3A_555 = arith.constant 0 : i32
    %dma_wait3A_556 = arith.constant 0 : i32
    %dma_wait3A_557 = tpu.memref_slice %arg10[%dma_wait3A_546, %dma_wait3A_555, %dma_wait3A_556] : memref<3x256x48xf32, #tpu.memory_space<vmem>> -> memref<1x256x48xf32, #tpu.memory_space<vmem>>
    %dma_wait3A_558 = tpu.memref_squeeze %dma_wait3A_557 : memref<1x256x48xf32, #tpu.memory_space<vmem>> -> memref<256x48xf32, #tpu.memory_space<vmem>>
    tpu.wait_dma2 semaphore(%arg15 : memref<!tpu.dma_semaphore, #tpu.memory_space<semaphore_mem>>) src(%dma_wait3A_558 : memref<256x48xf32, #tpu.memory_space<vmem>>) dst(%dma_wait3A_554 : memref<256x48xf32, #tpu.memory_space<hbm>>)
    %dma_wait3A_559 = arith.constant 1 : i32
    %dma_wait3A_560 = arith.constant 0 : i32
    %dma_wait3A_561 = arith.constant 0 : i32
    %dma_wait3A_562 = tpu.memref_slice %arg8[%dma_wait3A_559, %dma_wait3A_560, %dma_wait3A_561] : memref<3x256x32xf32, #tpu.memory_space<vmem>> -> memref<1x256x32xf32, #tpu.memory_space<vmem>>
    %dma_wait3A_563 = tpu.memref_squeeze %dma_wait3A_562 : memref<1x256x32xf32, #tpu.memory_space<vmem>> -> memref<256x32xf32, #tpu.memory_space<vmem>>
    %dma_wait3A_564 = arith.constant 0 : i32
    %dma_wait3A_565 = tpu.memref_slice %arg6[%add3A_269, %dma_wait3A_564] : memref<32768x128xf32, #tpu.memory_space<hbm>> -> memref<256x32xf32, #tpu.memory_space<hbm>>
    %dma_wait3A_566 = arith.constant 0 : i32
    %dma_wait3A_567 = tpu.memref_slice %arg6[%add3A_269, %dma_wait3A_566] : memref<32768x128xf32, #tpu.memory_space<hbm>> -> memref<256x32xf32, #tpu.memory_space<hbm>>
    %dma_wait3A_568 = arith.constant 0 : i32
    %dma_wait3A_569 = arith.constant 0 : i32
    %dma_wait3A_570 = tpu.memref_slice %arg8[%dma_wait3A_559, %dma_wait3A_568, %dma_wait3A_569] : memref<3x256x32xf32, #tpu.memory_space<vmem>> -> memref<1x256x32xf32, #tpu.memory_space<vmem>>
    %dma_wait3A_571 = tpu.memref_squeeze %dma_wait3A_570 : memref<1x256x32xf32, #tpu.memory_space<vmem>> -> memref<256x32xf32, #tpu.memory_space<vmem>>
    tpu.wait_dma2 semaphore(%arg16 : memref<!tpu.dma_semaphore, #tpu.memory_space<semaphore_mem>>) src(%dma_wait3A_571 : memref<256x32xf32, #tpu.memory_space<vmem>>) dst(%dma_wait3A_567 : memref<256x32xf32, #tpu.memory_space<hbm>>)
    %dma_wait3A_572 = arith.constant 1 : i32
    %dma_wait3A_573 = arith.constant 0 : i32
    %dma_wait3A_574 = arith.constant 0 : i32
    %dma_wait3A_575 = tpu.memref_slice %arg9[%dma_wait3A_572, %dma_wait3A_573, %dma_wait3A_574] : memref<3x256x48xf32, #tpu.memory_space<vmem>> -> memref<1x256x48xf32, #tpu.memory_space<vmem>>
    %dma_wait3A_576 = tpu.memref_squeeze %dma_wait3A_575 : memref<1x256x48xf32, #tpu.memory_space<vmem>> -> memref<256x48xf32, #tpu.memory_space<vmem>>
    %dma_wait3A_577 = arith.constant 32 : i32
    %dma_wait3A_578 = tpu.memref_slice %arg6[%add3A_269, %dma_wait3A_577] : memref<32768x128xf32, #tpu.memory_space<hbm>> -> memref<256x48xf32, #tpu.memory_space<hbm>>
    %dma_wait3A_579 = arith.constant 32 : i32
    %dma_wait3A_580 = tpu.memref_slice %arg6[%add3A_269, %dma_wait3A_579] : memref<32768x128xf32, #tpu.memory_space<hbm>> -> memref<256x48xf32, #tpu.memory_space<hbm>>
    %dma_wait3A_581 = arith.constant 0 : i32
    %dma_wait3A_582 = arith.constant 0 : i32
    %dma_wait3A_583 = tpu.memref_slice %arg9[%dma_wait3A_572, %dma_wait3A_581, %dma_wait3A_582] : memref<3x256x48xf32, #tpu.memory_space<vmem>> -> memref<1x256x48xf32, #tpu.memory_space<vmem>>
    %dma_wait3A_584 = tpu.memref_squeeze %dma_wait3A_583 : memref<1x256x48xf32, #tpu.memory_space<vmem>> -> memref<256x48xf32, #tpu.memory_space<vmem>>
    tpu.wait_dma2 semaphore(%arg16 : memref<!tpu.dma_semaphore, #tpu.memory_space<semaphore_mem>>) src(%dma_wait3A_584 : memref<256x48xf32, #tpu.memory_space<vmem>>) dst(%dma_wait3A_580 : memref<256x48xf32, #tpu.memory_space<hbm>>)
    %dma_wait3A_585 = arith.constant 1 : i32
    %dma_wait3A_586 = arith.constant 0 : i32
    %dma_wait3A_587 = arith.constant 0 : i32
    %dma_wait3A_588 = tpu.memref_slice %arg10[%dma_wait3A_585, %dma_wait3A_586, %dma_wait3A_587] : memref<3x256x48xf32, #tpu.memory_space<vmem>> -> memref<1x256x48xf32, #tpu.memory_space<vmem>>
    %dma_wait3A_589 = tpu.memref_squeeze %dma_wait3A_588 : memref<1x256x48xf32, #tpu.memory_space<vmem>> -> memref<256x48xf32, #tpu.memory_space<vmem>>
    %dma_wait3A_590 = arith.constant 80 : i32
    %dma_wait3A_591 = tpu.memref_slice %arg6[%add3A_269, %dma_wait3A_590] : memref<32768x128xf32, #tpu.memory_space<hbm>> -> memref<256x48xf32, #tpu.memory_space<hbm>>
    %dma_wait3A_592 = arith.constant 80 : i32
    %dma_wait3A_593 = tpu.memref_slice %arg6[%add3A_269, %dma_wait3A_592] : memref<32768x128xf32, #tpu.memory_space<hbm>> -> memref<256x48xf32, #tpu.memory_space<hbm>>
    %dma_wait3A_594 = arith.constant 0 : i32
    %dma_wait3A_595 = arith.constant 0 : i32
    %dma_wait3A_596 = tpu.memref_slice %arg10[%dma_wait3A_585, %dma_wait3A_594, %dma_wait3A_595] : memref<3x256x48xf32, #tpu.memory_space<vmem>> -> memref<1x256x48xf32, #tpu.memory_space<vmem>>
    %dma_wait3A_597 = tpu.memref_squeeze %dma_wait3A_596 : memref<1x256x48xf32, #tpu.memory_space<vmem>> -> memref<256x48xf32, #tpu.memory_space<vmem>>
    tpu.wait_dma2 semaphore(%arg16 : memref<!tpu.dma_semaphore, #tpu.memory_space<semaphore_mem>>) src(%dma_wait3A_597 : memref<256x48xf32, #tpu.memory_space<vmem>>) dst(%dma_wait3A_593 : memref<256x48xf32, #tpu.memory_space<hbm>>)
    %dma_wait3A_598 = arith.constant 2 : i32
    %dma_wait3A_599 = arith.constant 0 : i32
    %dma_wait3A_600 = arith.constant 0 : i32
    %dma_wait3A_601 = tpu.memref_slice %arg8[%dma_wait3A_598, %dma_wait3A_599, %dma_wait3A_600] : memref<3x256x32xf32, #tpu.memory_space<vmem>> -> memref<1x256x32xf32, #tpu.memory_space<vmem>>
    %dma_wait3A_602 = tpu.memref_squeeze %dma_wait3A_601 : memref<1x256x32xf32, #tpu.memory_space<vmem>> -> memref<256x32xf32, #tpu.memory_space<vmem>>
    %dma_wait3A_603 = arith.constant 0 : i32
    %dma_wait3A_604 = tpu.memref_slice %arg6[%add3A_409, %dma_wait3A_603] : memref<32768x128xf32, #tpu.memory_space<hbm>> -> memref<256x32xf32, #tpu.memory_space<hbm>>
    %dma_wait3A_605 = arith.constant 0 : i32
    %dma_wait3A_606 = tpu.memref_slice %arg6[%add3A_409, %dma_wait3A_605] : memref<32768x128xf32, #tpu.memory_space<hbm>> -> memref<256x32xf32, #tpu.memory_space<hbm>>
    %dma_wait3A_607 = arith.constant 0 : i32
    %dma_wait3A_608 = arith.constant 0 : i32
    %dma_wait3A_609 = tpu.memref_slice %arg8[%dma_wait3A_598, %dma_wait3A_607, %dma_wait3A_608] : memref<3x256x32xf32, #tpu.memory_space<vmem>> -> memref<1x256x32xf32, #tpu.memory_space<vmem>>
    %dma_wait3A_610 = tpu.memref_squeeze %dma_wait3A_609 : memref<1x256x32xf32, #tpu.memory_space<vmem>> -> memref<256x32xf32, #tpu.memory_space<vmem>>
    tpu.wait_dma2 semaphore(%arg17 : memref<!tpu.dma_semaphore, #tpu.memory_space<semaphore_mem>>) src(%dma_wait3A_610 : memref<256x32xf32, #tpu.memory_space<vmem>>) dst(%dma_wait3A_606 : memref<256x32xf32, #tpu.memory_space<hbm>>)
    %dma_wait3A_611 = arith.constant 2 : i32
    %dma_wait3A_612 = arith.constant 0 : i32
    %dma_wait3A_613 = arith.constant 0 : i32
    %dma_wait3A_614 = tpu.memref_slice %arg9[%dma_wait3A_611, %dma_wait3A_612, %dma_wait3A_613] : memref<3x256x48xf32, #tpu.memory_space<vmem>> -> memref<1x256x48xf32, #tpu.memory_space<vmem>>
    %dma_wait3A_615 = tpu.memref_squeeze %dma_wait3A_614 : memref<1x256x48xf32, #tpu.memory_space<vmem>> -> memref<256x48xf32, #tpu.memory_space<vmem>>
    %dma_wait3A_616 = arith.constant 32 : i32
    %dma_wait3A_617 = tpu.memref_slice %arg6[%add3A_409, %dma_wait3A_616] : memref<32768x128xf32, #tpu.memory_space<hbm>> -> memref<256x48xf32, #tpu.memory_space<hbm>>
    %dma_wait3A_618 = arith.constant 32 : i32
    %dma_wait3A_619 = tpu.memref_slice %arg6[%add3A_409, %dma_wait3A_618] : memref<32768x128xf32, #tpu.memory_space<hbm>> -> memref<256x48xf32, #tpu.memory_space<hbm>>
    %dma_wait3A_620 = arith.constant 0 : i32
    %dma_wait3A_621 = arith.constant 0 : i32
    %dma_wait3A_622 = tpu.memref_slice %arg9[%dma_wait3A_611, %dma_wait3A_620, %dma_wait3A_621] : memref<3x256x48xf32, #tpu.memory_space<vmem>> -> memref<1x256x48xf32, #tpu.memory_space<vmem>>
    %dma_wait3A_623 = tpu.memref_squeeze %dma_wait3A_622 : memref<1x256x48xf32, #tpu.memory_space<vmem>> -> memref<256x48xf32, #tpu.memory_space<vmem>>
    tpu.wait_dma2 semaphore(%arg17 : memref<!tpu.dma_semaphore, #tpu.memory_space<semaphore_mem>>) src(%dma_wait3A_623 : memref<256x48xf32, #tpu.memory_space<vmem>>) dst(%dma_wait3A_619 : memref<256x48xf32, #tpu.memory_space<hbm>>)
    %dma_wait3A_624 = arith.constant 2 : i32
    %dma_wait3A_625 = arith.constant 0 : i32
    %dma_wait3A_626 = arith.constant 0 : i32
    %dma_wait3A_627 = tpu.memref_slice %arg10[%dma_wait3A_624, %dma_wait3A_625, %dma_wait3A_626] : memref<3x256x48xf32, #tpu.memory_space<vmem>> -> memref<1x256x48xf32, #tpu.memory_space<vmem>>
    %dma_wait3A_628 = tpu.memref_squeeze %dma_wait3A_627 : memref<1x256x48xf32, #tpu.memory_space<vmem>> -> memref<256x48xf32, #tpu.memory_space<vmem>>
    %dma_wait3A_629 = arith.constant 80 : i32
    %dma_wait3A_630 = tpu.memref_slice %arg6[%add3A_409, %dma_wait3A_629] : memref<32768x128xf32, #tpu.memory_space<hbm>> -> memref<256x48xf32, #tpu.memory_space<hbm>>
    %dma_wait3A_631 = arith.constant 80 : i32
    %dma_wait3A_632 = tpu.memref_slice %arg6[%add3A_409, %dma_wait3A_631] : memref<32768x128xf32, #tpu.memory_space<hbm>> -> memref<256x48xf32, #tpu.memory_space<hbm>>
    %dma_wait3A_633 = arith.constant 0 : i32
    %dma_wait3A_634 = arith.constant 0 : i32
    %dma_wait3A_635 = tpu.memref_slice %arg10[%dma_wait3A_624, %dma_wait3A_633, %dma_wait3A_634] : memref<3x256x48xf32, #tpu.memory_space<vmem>> -> memref<1x256x48xf32, #tpu.memory_space<vmem>>
    %dma_wait3A_636 = tpu.memref_squeeze %dma_wait3A_635 : memref<1x256x48xf32, #tpu.memory_space<vmem>> -> memref<256x48xf32, #tpu.memory_space<vmem>>
    tpu.wait_dma2 semaphore(%arg17 : memref<!tpu.dma_semaphore, #tpu.memory_space<semaphore_mem>>) src(%dma_wait3A_636 : memref<256x48xf32, #tpu.memory_space<vmem>>) dst(%dma_wait3A_632 : memref<256x48xf32, #tpu.memory_space<hbm>>)
    return
  }
}

module attributes {stable_mosaic.version = 14 : i64} {
  func.func @_table_body(%arg0: memref<1x128xf32, #tpu.memory_space<vmem>>, %arg1: memref<8192x32xf32, #tpu.memory_space<vmem>>, %arg2: memref<8192x48xf32, #tpu.memory_space<vmem>>, %arg3: memref<8192x48xf32, #tpu.memory_space<vmem>>) attributes {dimension_semantics = [], scalar_prefetch = 0 : i64, scratch_operands = 0 : i64, tpu.core_type = #tpu.core_type<tc>} {
    %get3A = arith.constant 0 : index
    %get3A_0 = arith.constant 0 : index
    %get3A_1 = vector.load %arg0[%get3A, %get3A_0] : memref<1x128xf32, #tpu.memory_space<vmem>>, vector<1x128xf32>
    %iota3A = tpu.iota {dimensions = array<i32: 0>} : vector<128x128xi32>
    %convert_element_type3A = arith.sitofp %iota3A : vector<128x128xi32> to vector<128x128xf32>
    %mul3A = arith.constant 6.400000e+01 : f32
    %mul3A_2 = vector.broadcast %mul3A : f32 to vector<128x128xf32>
    %mul3A_3 = arith.mulf %convert_element_type3A, %mul3A_2 : vector<128x128xf32>
    %mul3A_4 = vector.broadcast %get3A_1 : vector<1x128xf32> to vector<128x128xf32>
    %mul3A_5 = arith.mulf %mul3A_3, %mul3A_4 : vector<128x128xf32>
    %cos3A = math.cos %mul3A_5 : vector<128x128xf32>
    %sin3A = math.sin %mul3A_5 : vector<128x128xf32>
    %iota3A_6 = tpu.iota {dimensions = array<i32: 0>} : vector<64x128xi32>
    %convert_element_type3A_7 = arith.sitofp %iota3A_6 : vector<64x128xi32> to vector<64x128xf32>
    %iota3A_8 = tpu.iota {dimensions = array<i32: 1>} : vector<64x128xi32>
    %jit3A = arith.constant 2 : i32
    %eq3A = arith.constant 0 : i32
    %eq3A_9 = arith.cmpi eq, %jit3A, %eq3A : i32
    %jit3A_10 = arith.constant 1 : i32
    %select_n3A = arith.select %eq3A_9, %jit3A_10, %jit3A : i32
    %rem3A = vector.broadcast %select_n3A : i32 to vector<64x128xi32>
    %rem3A_11 = arith.remsi %iota3A_8, %rem3A : vector<64x128xi32>
    %ne3A = arith.constant 0 : i32
    %ne3A_12 = vector.broadcast %ne3A : i32 to vector<64x128xi32>
    %ne3A_13 = arith.cmpi ne, %rem3A_11, %ne3A_12 : vector<64x128xi32>
    %lt3A = arith.constant 0 : i32
    %lt3A_14 = vector.broadcast %lt3A : i32 to vector<64x128xi32>
    %lt3A_15 = arith.cmpi slt, %rem3A_11, %lt3A_14 : vector<64x128xi32>
    %lt3A_16 = arith.constant 0 : i32
    %lt3A_17 = arith.cmpi slt, %select_n3A, %lt3A_16 : i32
    %ne3A_18 = vector.broadcast %lt3A_17 : i1 to vector<64x128xi1>
    %ne3A_19 = vector.broadcast %ne3A_18 : vector<64x128xi1> to vector<64x128xi1>
    %ne3A_20 = arith.xori %lt3A_15, %ne3A_19 : vector<64x128xi1>
    %and3A = arith.andi %ne3A_20, %ne3A_13 : vector<64x128xi1>
    %add3A = vector.broadcast %select_n3A : i32 to vector<64x128xi32>
    %add3A_21 = arith.addi %rem3A_11, %add3A : vector<64x128xi32>
    %select_n3A_22 = arith.select %and3A, %add3A_21, %rem3A_11 : vector<64x128xi1>, vector<64x128xi32>
    %convert_element_type3A_23 = arith.sitofp %select_n3A_22 : vector<64x128xi32> to vector<64x128xf32>
    %mul3A_24 = vector.broadcast %get3A_1 : vector<1x128xf32> to vector<64x128xf32>
    %mul3A_25 = arith.mulf %convert_element_type3A_7, %mul3A_24 : vector<64x128xf32>
    %mul3A_26 = arith.constant 1.57079637 : f32
    %mul3A_27 = vector.broadcast %mul3A_26 : f32 to vector<64x128xf32>
    %mul3A_28 = arith.mulf %convert_element_type3A_23, %mul3A_27 : vector<64x128xf32>
    %sub3A = arith.subf %mul3A_25, %mul3A_28 : vector<64x128xf32>
    %cos3A_29 = math.cos %sub3A : vector<64x128xf32>
    %sin3A_30 = math.sin %sub3A : vector<64x128xf32>
    %broadcast_in_dim3A = vector.shape_cast %cos3A : vector<128x128xf32> to vector<128x1x128xf32>
    %broadcast_in_dim3A_31 = vector.shape_cast %cos3A_29 : vector<64x128xf32> to vector<1x64x128xf32>
    %mul3A_32 = vector.broadcast %broadcast_in_dim3A : vector<128x1x128xf32> to vector<128x64x128xf32>
    %mul3A_33 = vector.broadcast %broadcast_in_dim3A_31 : vector<1x64x128xf32> to vector<128x64x128xf32>
    %mul3A_34 = arith.mulf %mul3A_32, %mul3A_33 : vector<128x64x128xf32>
    %broadcast_in_dim3A_35 = vector.shape_cast %sin3A : vector<128x128xf32> to vector<128x1x128xf32>
    %broadcast_in_dim3A_36 = vector.shape_cast %sin3A_30 : vector<64x128xf32> to vector<1x64x128xf32>
    %mul3A_37 = vector.broadcast %broadcast_in_dim3A_35 : vector<128x1x128xf32> to vector<128x64x128xf32>
    %mul3A_38 = vector.broadcast %broadcast_in_dim3A_36 : vector<1x64x128xf32> to vector<128x64x128xf32>
    %mul3A_39 = arith.mulf %mul3A_37, %mul3A_38 : vector<128x64x128xf32>
    %sub3A_40 = arith.subf %mul3A_34, %mul3A_39 : vector<128x64x128xf32>
    %reshape3A = vector.shape_cast %sub3A_40 : vector<128x64x128xf32> to vector<8192x128xf32>
    %slice3A = vector.extract_strided_slice %reshape3A {offsets = [0, 0], sizes = [8192, 32], strides = [1, 1]} : vector<8192x128xf32> to vector<8192x32xf32>
    %swap3A = arith.constant 0 : index
    %swap3A_41 = arith.constant 0 : index
    %swap3A_42 = vector.load %arg1[%swap3A, %swap3A_41] : memref<8192x32xf32, #tpu.memory_space<vmem>>, vector<8192x32xf32>
    tpu.vector_store %arg1[%swap3A, %swap3A_41], %slice3A {strides = array<i32>} : memref<8192x32xf32, #tpu.memory_space<vmem>>, vector<8192x32xf32>,
    %slice3A_43 = vector.extract_strided_slice %reshape3A {offsets = [0, 32], sizes = [8192, 48], strides = [1, 1]} : vector<8192x128xf32> to vector<8192x48xf32>
    %swap3A_44 = arith.constant 0 : index
    %swap3A_45 = arith.constant 0 : index
    %swap3A_46 = vector.load %arg2[%swap3A_44, %swap3A_45] : memref<8192x48xf32, #tpu.memory_space<vmem>>, vector<8192x48xf32>
    tpu.vector_store %arg2[%swap3A_44, %swap3A_45], %slice3A_43 {strides = array<i32>} : memref<8192x48xf32, #tpu.memory_space<vmem>>, vector<8192x48xf32>,
    %slice3A_47 = vector.extract_strided_slice %reshape3A {offsets = [0, 80], sizes = [8192, 48], strides = [1, 1]} : vector<8192x128xf32> to vector<8192x48xf32>
    %swap3A_48 = arith.constant 0 : index
    %swap3A_49 = arith.constant 0 : index
    %swap3A_50 = vector.load %arg3[%swap3A_48, %swap3A_49] : memref<8192x48xf32, #tpu.memory_space<vmem>>, vector<8192x48xf32>
    tpu.vector_store %arg3[%swap3A_48, %swap3A_49], %slice3A_47 {strides = array<i32>} : memref<8192x48xf32, #tpu.memory_space<vmem>>, vector<8192x48xf32>,
    return
  }
}

</mosaic_0001>

<sc_bundles>
// kernel: kernel.4.cloned.1.call-start
scs
__scs_entry_jumppad:
0x0: {  	(pc) =	sbr.rel $0x88, $3  }
0x1: {  	(tag) =	ssettag $0x0;
	lr =	simm.s32 $0x1  }
0x2: {  	[smem:$0x3F9E] =	sst lr;
	_ =	strace $0xD0000000  }
0x3: {  	_ = 	snop  }
0x4: {  	_ = 	snop  }
0x5: {  	_ = 	snop  }
0x6: {  	_ = 	snop  }
0x7: {  	_ = 	snop  }
__scs_overlays_trampoline_lowered:
0x8: {  	[smem:$0x3FAD] =	sst s0  }
0x9: {  	[smem:$0x3FAE] =	sst s1  }
0xa: {  	[smem:$0x3FAF] =	sst s2  }
0xb: {  	[smem:$0x3FB0] =	sst s3  }
0xc: {  	[smem:$0x3FB1] =	sst s4  }
0xd: {  	[smem:$0x3FB2] =	sst s5  }
0xe: {  	[smem:$0x3FB3] =	sst s6  }
0xf: {  	[smem:$0x3FB4] =	sst s7  }
0x10: {  	[smem:$0x3FB5] =	sst s8  }
0x11: {  	[smem:$0x3FB6] =	sst s9;
	s0 =	simm.s32 @!p0 $0x0  }
0x12: {  	s1 =	sld [smem:$0x3F9C];
	s0 =	simm.s32 @p0 $0x1  }
0x13: {  	[smem:$0x3FB7] =	sst s0;
	s0 =	simm.s32 @!p1 $0x0  }
0x14: {  	s2 =	sld [smem:$0x3F9B];
	s0 =	simm.s32 @p1 $0x1  }
0x15: {  	[smem:$0x3FB8] =	sst s0;
	s0 =	simm.s32 @!p2 $0x0  }
0x16: {  	s3 =	sld [smem:$0x3FDB];
	s0 =	simm.s32 @p2 $0x1  }
0x17: {  	s4 =	simm.s32 $0x1BF5;
	[smem:$0x3FBA] =	sst s0  }
0x18: {  	s0 =	sld [smem:$0x3F9D];
	_ =	swait.ge [sflag:s4], $0x0  }
0x19: {  	s7 =	sld [smem:$0x3F9E]  }
0x1a: {  	s8 =	sadd.s32 $0xFFFFE003, lr  }
0x1b: {  	s9 =	sadd.s32 $0xFFFFFEF7, lr;
	s5 =	simm.s32 $0xFFFFFFFF;
	p2 =	slt.u32 s8, $0xFFFFF086  }
0x1c: {  	p1 =	slt.u32 s9, $0xF7A;
	s5 =	simm.s32 @!p2 $0x0  }
0x1d: {  	s5 =	simm.s32 @p1 $0x1;
	p0 =	seq.s32 s7, s2  }
0x1e: {  	s7 =	smul.u32 @!p0 $0xF7A, s2;
	p2 =	seq.s32 @!p0 s5, $0x0  }
0x1f: {  	s9 =	smul.u32 $0xF7A, s1;
	s8 =	simm.s32 @!p0 $0x1BF5;
	p2 =	por !p2, p0  }
0x20: {  	[sflag:s8] =	ssyncset.s32 @!p0 $0xFFFFF086;
	s6 =	sadd.s32 @!p0 s3, s7;
	s7 =	simm.s32 @!p0 $0x108  }
0x21: {  	s3 =	sadd.s32 s3, s9;
	s6 =	sadd.s32 @!p0 $0x88, s6;
	s7 =	simm.s32 @p2 $0x1082  }
0x22: {  	[simem:s7], [sflag:s8] =	dma.local @!p0 [hbm:s6], $0xF7A  }
0x23: {  	s9 =	sor.u32 $0xD0000000, s2;
	s6 =	simm.s32 $0x108;
	_ =	swait.ge @!p0 [sflag:s8], $0x0  }
0x24: {  	s3 =	sadd.s32 $0x88, s3;
	s6 =	simm.s32 @!p1 $0x1082;
	[sflag:s4] =	ssyncset.s32 $0xFFFFF086  }
0x25: {  	[simem:s6], [sflag:s4] =	dma.local [hbm:s3], $0xF7A  }
0x26: {  	[smem:$0x3F9E] =	sst s1;
	(tag) =	ssettag s2;
	_ =	strace s9  }
0x27: {  	s1 =	sld [smem:$0x3FAE]  }
0x28: {  	s2 =	sld [smem:$0x3FAF]  }
0x29: {  	s4 =	sld [smem:$0x3FB1]  }
0x2a: {  	p0 =	seq.s32 s5, $0x0;
	s5 =	sld [smem:$0x3FB2]  }
0x2b: {  	s6 =	sld [smem:$0x3FB3]  }
0x2c: {  	s7 =	sld [smem:$0x3FB4]  }
0x2d: {  	s3 =	simm.s32 $0x108;
	s8 =	sld [smem:$0x3FB5]  }
0x2e: {  	s3 =	simm.s32 @!p0 $0x1082;
	s9 =	sld [smem:$0x3FB6]  }
0x2f: {  	lr =	sadd.s32 s0, s3;
	s0 =	sld [smem:$0x3FAD]  }
0x30: {  	s3 =	sld [smem:$0x3FB0]  }
0x31: {  	[smem:$0x3FB9] =	sst s10  }
0x32: {  	s10 =	sld [smem:$0x3FB7];
	_ =	sdelay $0x3  }
0x33: {  	p0 =	seq.s32 s10, $0x1;
	s10 =	sld [smem:$0x3FB9];
	_ =	sdelay $0x3  }
0x34: {  	[smem:$0x3FB9] =	sst s10  }
0x35: {  	s10 =	sld [smem:$0x3FB8];
	_ =	sdelay $0x3  }
0x36: {  	p1 =	seq.s32 s10, $0x1;
	s10 =	sld [smem:$0x3FB9];
	_ =	sdelay $0x3  }
0x37: {  	[smem:$0x3FB9] =	sst s10  }
0x38: {  	s10 =	sld [smem:$0x3FBA]  }
0x39: {  	_ = 	snop;
	(pc) =	sbr.ind lr, $3  }
0x3a: {  	_ = 	snop  }
0x3b: {  	_ = 	snop  }
0x3c: {  	p2 =	seq.s32 s10, $0x1;
	s10 =	sld [smem:$0x3FB9]  }
0x3d: {  	_ =	shalt  }
0x3e: {  	_ =	shalt  }
0x3f: {  	_ =	shalt  }
0x40: {  	_ =	shalt  }
0x41: {  	_ =	shalt  }
0x42: {  	_ =	shalt  }
0x43: {  	_ =	shalt  }
0x44: {  	_ =	shalt  }
0x45: {  	_ =	shalt  }
0x46: {  	_ =	shalt  }
0x47: {  	_ =	shalt  }
0x48: {  	_ =	shalt  }
0x49: {  	_ =	shalt  }
0x4a: {  	_ =	shalt  }
0x4b: {  	_ =	shalt  }
0x4c: {  	_ =	shalt  }
0x4d: {  	_ =	shalt  }
0x4e: {  	_ =	shalt  }
0x4f: {  	_ =	shalt  }
0x50: {  	_ =	shalt  }
0x51: {  	_ =	shalt  }
0x52: {  	_ =	shalt  }
0x53: {  	_ =	shalt  }
0x54: {  	_ =	shalt  }
0x55: {  	_ =	shalt  }
0x56: {  	_ =	shalt  }
0x57: {  	_ =	shalt  }
0x58: {  	_ =	shalt  }
0x59: {  	_ =	shalt  }
0x5a: {  	_ =	shalt  }
0x5b: {  	_ =	shalt  }
0x5c: {  	_ =	shalt  }
0x5d: {  	_ =	shalt  }
0x5e: {  	_ =	shalt  }
0x5f: {  	_ =	shalt  }
0x60: {  	_ =	shalt  }
0x61: {  	_ =	shalt  }
0x62: {  	_ =	shalt  }
0x63: {  	_ =	shalt  }
0x64: {  	_ =	shalt  }
0x65: {  	_ =	shalt  }
0x66: {  	_ =	shalt  }
0x67: {  	_ =	shalt  }
0x68: {  	_ =	shalt  }
0x69: {  	_ =	shalt  }
0x6a: {  	_ =	shalt  }
0x6b: {  	_ =	shalt  }
0x6c: {  	_ =	shalt  }
0x6d: {  	_ =	shalt  }
0x6e: {  	_ =	shalt  }
0x6f: {  	_ =	shalt  }
0x70: {  	_ =	shalt  }
0x71: {  	_ =	shalt  }
0x72: {  	_ =	shalt  }
0x73: {  	_ =	shalt  }
0x74: {  	_ =	shalt  }
0x75: {  	_ =	shalt  }
0x76: {  	_ =	shalt  }
0x77: {  	_ =	shalt  }
0x78: {  	_ =	shalt  }
0x79: {  	_ =	shalt  }
0x7a: {  	_ =	shalt  }
0x7b: {  	_ =	shalt  }
0x7c: {  	_ =	shalt  }
0x7d: {  	_ =	shalt  }
0x7e: {  	_ =	shalt  }
0x7f: {  	_ =	shalt  }
0x80: {  	_ =	shalt  }
0x81: {  	_ =	shalt  }
0x82: {  	_ =	shalt  }
0x83: {  	_ =	shalt  }
0x84: {  	_ =	shalt  }
0x85: {  	_ =	shalt  }
0x86: {  	_ =	shalt  }
0x87: {  	_ =	shalt  }
.Lfunc_end0:
.L_simem_size_0:
called_computation_lowered:
.L_overlay_start_0:
0x88: {  	s2 =	sld [smem:$0x3FD9]  }
0x89: {  	s3 =	sld [smem:$0x3FFE];
	_ =	sdelay $0x1  }
0x8a: {  	s1 =	srdreg.scid  }
0x8b: {  	s0 =	sand.u32 $0x1, s1  }
0x8c: {  	s14 =	sshll.u32 s0, $0xA;
	s2 =	sadd.s32 s3, s2  }
0x8d: {  	s2 =	sadd.s32 s2, s14  }
0x8e: {  	[smem:$0x3FC5] =	sst s2  }
0x8f: {  	_ = 	snop  }
0x90: {  	s2 =	sld [smem:$0x3FD0];
	_ =	sdelay $0x2  }
0x91: {  	s15 =	simm.s32 $0xA;
	s4 =	simm.s32 $0x10  }
0x92: {  	[smem:s4], [sflag:s15] =	dma.local [hbm:s2], $0x1  }
0x93: {  	_ =	swait.eq [sflag:s15], $0x1  }
0x94: {  	[sflag:s15] =	ssyncset.done $0x0  }
0x95: {  	[sflag:s15] =	ssyncadd.s32 $0xFFFFFFFF  }
0x96: {  	s16 =	sld [smem:$0x10];
	(tm) =	ssettm $0x1  }
0x97: {  	s17 =	sld [smem:$0x3FFB];
	_ =	sdelay $0x3  }
0x98: {  	_ =	strace s17  }
0x99: {  	s3 =	sld [smem:$0x3FFC];
	_ =	sdelay $0x3  }
0x9a: {  	_ =	strace s3  }
0x9b: {  	s3 =	sld [smem:$0x3FFD];
	_ =	sdelay $0x3  }
0x9c: {  	_ =	strace s3  }
0x9d: {  	_ =	strace $0x8FFFFFFF  }
0x9e: {  	s18 =	sld [smem:$0x3FDB];
	_ =	sdelay $0x1  }
0x9f: {  	s19 =	simm.s32 $_scs_section_size  }
0xa0: {  	s5 =	simm.s32 $_size__tile_overlayer_lowered;
	s6 =	simm.s32 $_tile_overlayer_lowered  }
0xa1: {  	s22 =	simm.s32 $0x1BFF;
	s21 =	sshll.u32 s6, $0x1;
	s3 =	sadd.s32 s19, s18  }
0xa2: {  	s7 =	simm.s32 $0x0;
	s20 =	sshll.u32 s5, $0x1;
	s5 =	sadd.s32 s21, s3  }
0xa3: {  	[timem:s7], [sflag:s22] =	dma.local [hbm:s5], s20  }
0xa4: {  	_ =	swait.ge [sflag:s22], s20  }
0xa5: {  	s4 =	ssub.s32 $0x0, s20;
	[sflag:s22] =	ssyncset.done $0x0  }
0xa6: {  	[sflag:s22] =	ssyncadd.s32 s4;
	_ =	sdelay $0x1  }
0xa7: {  	s23 =	simm.s32 $0x1B8B  }
0xa8: {  	_ =	swait.ge [sflag:s23], $0x1  }
0xa9: {  	[sflag:s23] =	ssyncset.done $0x0  }
0xaa: {  	s25 =	simm.s32 $0x1B8E;
	s24 =	sld [smem:$0x3FFE];
	[sflag:s23] =	ssyncadd.s32 $0xFFFFFFFF  }
0xab: {  	s26 =	simm.s32 $execute0_lowered;
	[smem:$0x3FD2] =	sst s25  }
0xac: {  	s5 =	sshll.u32 s26, $0x1;
	_ =	strace $0x80000046;
	[dreg:$0x1] =	wrdreg $0xFFFFFFFF  }
0xad: {  	s28 =	simm.s32 $_size_execute0_lowered;
	s3 =	sadd.s32 s3, s5;
	[dreg:$0x0] =	wrdreg $0x0  }
0xae: {  	s5 =	sshll.u32 s28, $0x1;
	[dreg:$0x2] =	wrdreg s3  }
0xaf: {  	[dreg:$0x3] =	wrdreg s5  }
0xb0: {  	[dreg:$0x4] =	wrdreg $0xC0  }
0xb1: {  	_ =	task [dreg:s7], $0x5FFFF  }
0xb2: {  	[dreg:$0x1] =	wrdreg $0xFFFFFFFF  }
0xb3: {  	[dreg:$0x0] =	wrdreg $0x60  }
0xb4: {  	[dreg:$0x2] =	wrdreg s24  }
0xb5: {  	[dreg:$0x3] =	wrdreg s16  }
0xb6: {  	[dreg:$0x4] =	wrdreg $0x9  }
0xb7: {  	_ =	task.clear_ibuf [dreg:s7], $0x5FFFF;
	_ =	strace $0x90000046  }
0xb8: {  	s29 =	simm.s32 $0x9;
	_ =	strace $0x80000048  }
0xb9: {  	_ =	swait.ge [sflag:s29], $0x1  }
0xba: {  	[sflag:s29] =	ssyncadd.s32 $0xFFFFFFFF  }
0xbb: {  	_ =	strace $0x90000048  }
0xbc: {  	_ =	sfence  }
0xbd: {  	s30 =	sld [smem:$0x0];
	_ =	sdelay $0x2  }
0xbe: {  	s31 =	sshll.u32 s1, $0xD;
	s1 =	sshrl.u32 s1, $0x2  }
0xbf: {  	s3 =	sand.u32 $0x4000, s31;
	s1 =	sadd.s32 s1, s30  }
0xc0: {  	s0 =	sor.u32 s3, s0;
	s1 =	sshll.u32 s1, $0x11  }
0xc1: {  	s0 =	sor.u32 s1, s0  }
0xc2: {  	s0 =	sadd.s32 $0x8F2B, s0  }
0xc3: {  	[sflag:s0] =	ssyncadd.remote.s32 $0x1  }
0xc4: {  	_ =	sfence.sel $0xFFFF  }
0xc5: {  	[dreg:$0x0] =	wrdreg $0xFFFFFFFF;
	(pc) =	sbr.abs _section_cstart, $3  }
0xc6: {  	[dreg:$0x1] =	wrdreg $0xFFFFFFFF  }
0xc7: {  	_ =	task.clear_ibuf [dreg:s7], $0x2FFFF;
	_ =	strace $0x9FFFFFFF  }
0xc8: {  	(tm) =	ssettm $0x7FFFFFFF  }
0xc9: {  	_ =	shalt  }
tec
execute0_lowered:
.L_overlay_start_1:
0x0: {  	(tag) =	ssettag $0x1  }
0x1: {  	s0 =	rddreg [dreg:$0x0]  }
0x2: {  	s2 =	rddreg [dreg:$0x1]  }
0x3: {  	s1 =	srdreg.scid;
	s4 =	stileid.u32  }
0x4: {  	s24 =	rddreg [dreg:$0x2];
	s15 =	simm.s32 $0x0;
	s29 =	simm.s32 $0x400  }
0x5: {  	s30 =	simm.s32 $0x800;
	s31 =	simm.s32 $0x1;
	s16 =	simm.s32 $0x100  }
0x6: {  	s12 =	simm.s32 $0x2;
	s28 =	simm.s32 $0x3;
	s13 =	simm.s32 $0x5  }
0x7: {  	p0 =	por $0x0, $0x0;
	s1 =	sand.u32 $0x1, s1;
	s3 =	sshll.u32 s4, $0x1  }
0x8: {  	s4 =	sshrl.u32 s4, $0x2;
	[smem:$0x7FF] =	sst s15;
	s17 =	sadd.s32 $0x14A00, s0  }
0x9: {  	s8 =	sadd.s32 $0xCA00, s0;
	s14 =	sadd.s32 $0xA00, s0;
	s3 =	sor.u32 s1, s3  }
0xa: {  	s6 =	sshll.u32 s4, $0xD;
	s5 =	sshll.u32 s3, $0xA;
	s3 =	sshll.u32 s3, $0xE  }
0xb: {  	s4 =	smul.u32 $0x6000, s4;
	s1 =	ssub.s32 $0x2, s1;
	s3 =	sadd.s32 s3, s0  }
0xc: {  	_ =	strace $0x80000047;
	s9 =	sshrl.u32 s1, $0x1;
	s19 =	sadd.s32 $0x17A00, s3  }
0xd: {  	s5 =	ssub.s32 s5, s6;
	s20 =	sadd.s32 $0x17A04, s3;
	[dreg:$0x6] =	wrdreg s19  }
0xe: {  	s1 =	ssub.s32 s1, s9;
	s21 =	sadd.s32 $0x17A0A, s3;
	[dreg:$0x7] =	wrdreg s20  }
0xf: {  	s9 =	simm.s32 $0x20;
	s22 =	sadd.s32 $0x18A00, s3;
	[dreg:$0x8] =	wrdreg s21  }
0x10: {  	s4 =	sadd.s32 s4, s5;
	s23 =	sadd.s32 $0x18A04, s3;
	[dreg:$0x9] =	wrdreg s22  }
0x11: {  	s25 =	sadd.s32 $0x18A0A, s3;
	s26 =	sadd.s32 $0x19A00, s3;
	[dreg:$0xa] =	wrdreg s23  }
0x12: {  	s6 =	sadd.s32 $0x19A0A, s3;
	s10 =	sadd.s32 $0x1AA04, s3;
	[dreg:$0xb] =	wrdreg s25  }
0x13: {  	s11 =	smax.u32 s1, $0x1;
	s5 =	sshrl.u32 s4, $0x3;
	[dreg:$0xc] =	wrdreg s26  }
0x14: {  	s7 =	sadd.s32 $0x2000, s4;
	s4 =	sadd.s32 $0x4000, s4;
	[dreg:$0xe] =	wrdreg s6  }
0x15: {  	[dreg:$0x10] =	wrdreg s10;
	s20 =	simm.s32 $0x2C00;
	s21 =	simm.s32 $0x500  }
0x16: {  	s22 =	simm.s32 $0x900;
	s23 =	simm.s32 $0x200;
	s10 =	simm.s32 $0x30  }
0x17: {  	s25 =	simm.s32 $0x600;
	s26 =	simm.s32 $0xA00;
	[dreg:$0x12] =	wrdreg s21  }
0x18: {  	s19 =	simm.s32 $0x15C00;
	p1 =	sne.s32 s11, $0x1;
	[dreg:$0x13] =	wrdreg s22  }
0x19: {  	s0 =	sadd.s32 $0xFFFFFFFF, s11;
	s11 =	simm.s32 $0x6;
	[dreg:$0x14] =	wrdreg s23  }
0x1a: {  	s6 =	simm.s32 $0x7;
	s5 =	sadd.s32 s17, s5;
	[dreg:$0x15] =	wrdreg s25  }
0x1b: {  	s7 =	sshrl.u32 s7, $0x3;
	s4 =	sshrl.u32 s4, $0x3;
	[dreg:$0x16] =	wrdreg s26  }
0x1c: {  	s21 =	simm.s32 $0x9C00;
	[dreg:$0x3] =	wrdreg s5;
	s18 =	sadd.s32 s17, s7  }
0x1d: {  	s22 =	simm.s32 $0x12C00;
	s4 =	sadd.s32 s17, s4;
	[dreg:$0x4] =	wrdreg s18  }
0x1e: {  	s26 =	simm.s32 $0x700;
	s5 =	sadd.s32 $0x19A04, s3;
	[dreg:$0x5] =	wrdreg s4  }
.Ltmp0:
0x1f: {  	s7 =	sadd.s32 $0x1AA00, s3;
	[dreg:$0xd] =	wrdreg s5;
	(pc) =	sbr.rel @!p1 .LBB2_1-.Ltmp0, $4  }
0x20: {  	s25 =	simm.s32 $0xB00;
	s3 =	sadd.s32 $0x1AA0A, s3;
	[dreg:$0xf] =	wrdreg s7  }
0x21: {  	s23 =	simm.s32 $0x4;
	s17 =	simm.s32 $0x4C00;
	[dreg:$0x11] =	wrdreg s3  }
0x22: {  	s5 =	simm.s32 $0xC00;
	s3 =	simm.s32 $0x6C00;
	s4 =	simm.s32 $0xFC00  }
0x23: {  	s7 =	simm.s32 $0x80;
	s18 =	simm.s32 $0xCC00;
	s1 =	rddreg [dreg:$0x3]  }
0x24: {  	[tilespmem:s15], [sflag:$0x1] =	stream.linear.gather [hbm4b:s1+s15], $0x400, $0x38;
	[tilespmem:$0x18C00] =	vst v63  }
0x25: {  	s24 =	smov.u32 s0;
	s0 =	rddreg [dreg:$0x4]  }
0x26: {  	[tilespmem:s29], [sflag:$0x1] =	stream.linear.gather [hbm4b:s0+s15], $0x400, $0x38;
	[tilespmem:$0x18C00] =	vst v63  }
0x27: {  	s1 =	rddreg [dreg:$0x5]  }
0x28: {  	[tilespmem:s30], [sflag:$0x1] =	stream.linear.gather [hbm4b:s1+s15], $0x400, $0x38;
	[tilespmem:$0x18C00] =	vst v63  }
0x29: {  	_ =	swait.ge [sflag:s31], $0x400  }
0x2a: {  	[sflag:s31] =	ssyncset.done $0x0  }
0x2b: {  	[sflag:s31] =	ssyncadd.s32 $0xFFFFFC00  }
0x2c: {  	_ =	swait.ge [sflag:s31], $0x400  }
0x2d: {  	[sflag:s31] =	ssyncset.done $0x0  }
0x2e: {  	[sflag:s31] =	ssyncadd.s32 $0xFFFFFC00  }
0x2f: {  	_ =	swait.ge [sflag:s31], $0x400  }
0x30: {  	[sflag:s31] =	ssyncset.done $0x0  }
0x31: {  	[sflag:s31] =	ssyncadd.s32 $0xFFFFFC00  }
0x32: {  	[tilespmem:s5], [sflag:$0x2] =	stream.indirect.gather [hbm4b:s8+s16], $0x20, s15, s16, $0xb8;
	[tilespmem:$0x18C00] =	vst v63  }
0x33: {  	_ = 	snop  }
0x34: {  	[tilespmem:s3], [sflag:$0x2] =	stream.indirect.gather [hbm4b:s2+s16], $0x30, s29, s16, $0xb8;
	[tilespmem:$0x18C00] =	vst v63  }
0x35: {  	_ = 	snop  }
0x36: {  	[tilespmem:s4], [sflag:$0x2] =	stream.indirect.gather [hbm4b:s14+s16], $0x30, s30, s16, $0xb8;
	[tilespmem:$0x18C00] =	vst v63  }
0x37: {  	_ = 	snop  }
0x38: {  	[tilespmem:s20], [sflag:$0x3] =	stream.indirect.gather [hbm4b:s8+s16], $0x20, s16, s16, $0xb8;
	[tilespmem:$0x18C00] =	vst v63  }
0x39: {  	s0 =	rddreg [dreg:$0x12]  }
0x3a: {  	[tilespmem:s21], [sflag:$0x3] =	stream.indirect.gather [hbm4b:s2+s16], $0x30, s0, s16, $0xb8;
	[tilespmem:$0x18C00] =	vst v63  }
0x3b: {  	s1 =	rddreg [dreg:$0x13]  }
0x3c: {  	[tilespmem:s22], [sflag:$0x3] =	stream.indirect.gather [hbm4b:s14+s16], $0x30, s1, s16, $0xb8;
	[tilespmem:$0x18C00] =	vst v63  }
0x3d: {  	_ =	swait.ge [sflag:s12], $0x2000  }
0x3e: {  	[sflag:s12] =	ssyncset.done $0x0  }
0x3f: {  	[sflag:s12] =	ssyncadd.s32 $0xFFFFE000  }
0x40: {  	_ =	swait.ge [sflag:s12], $0x3000  }
0x41: {  	[sflag:s12] =	ssyncset.done $0x0  }
0x42: {  	[sflag:s12] =	ssyncadd.s32 $0xFFFFD000  }
0x43: {  	_ =	swait.ge [sflag:s12], $0x3000  }
0x44: {  	[sflag:s12] =	ssyncset.done $0x0  }
0x45: {  	s0 =	rddreg [dreg:$0x6];
	[sflag:s12] =	ssyncadd.s32 $0xFFFFD000  }
0x46: {  	[hbm4b:s0+s9] =	stream.strided.scatter [tilespmem:s5], [sflag:$0x5], $0x2000, s7, s9, $0x38;
	[tilespmem:$0x18C00] =	vst v63  }
0x47: {  	s1 =	rddreg [dreg:$0x7]  }
0x48: {  	[hbm4b:s1+s10] =	stream.strided.scatter [tilespmem:s3], [sflag:$0x5], $0x3000, s7, s10, $0x38;
	[tilespmem:$0x18C00] =	vst v63  }
0x49: {  	s0 =	rddreg [dreg:$0x8]  }
0x4a: {  	[hbm4b:s0+s10] =	stream.strided.scatter [tilespmem:s4], [sflag:$0x5], $0x3000, s7, s10, $0x38;
	[tilespmem:$0x18C00] =	vst v63  }
0x4b: {  	s1 =	rddreg [dreg:$0x14]  }
0x4c: {  	[tilespmem:s17], [sflag:$0x4] =	stream.indirect.gather [hbm4b:s8+s16], $0x20, s1, s16, $0xb8;
	[tilespmem:$0x18C00] =	vst v63  }
0x4d: {  	s0 =	rddreg [dreg:$0x15]  }
0x4e: {  	[tilespmem:s18], [sflag:$0x4] =	stream.indirect.gather [hbm4b:s2+s16], $0x30, s0, s16, $0xb8;
	[tilespmem:$0x18C00] =	vst v63  }
0x4f: {  	s1 =	rddreg [dreg:$0x16]  }
0x50: {  	[tilespmem:s19], [sflag:$0x4] =	stream.indirect.gather [hbm4b:s14+s16], $0x30, s1, s16, $0xb8;
	[tilespmem:$0x18C00] =	vst v63  }
0x51: {  	_ =	swait.ge [sflag:s28], $0x2000  }
0x52: {  	[sflag:s28] =	ssyncset.done $0x0  }
0x53: {  	[sflag:s28] =	ssyncadd.s32 $0xFFFFE000  }
0x54: {  	_ =	swait.ge [sflag:s28], $0x3000  }
0x55: {  	[sflag:s28] =	ssyncset.done $0x0  }
0x56: {  	[sflag:s28] =	ssyncadd.s32 $0xFFFFD000  }
0x57: {  	_ =	swait.ge [sflag:s28], $0x3000  }
0x58: {  	[sflag:s28] =	ssyncset.done $0x0  }
0x59: {  	s0 =	rddreg [dreg:$0x9];
	[sflag:s28] =	ssyncadd.s32 $0xFFFFD000  }
0x5a: {  	[hbm4b:s0+s9] =	stream.strided.scatter [tilespmem:s20], [sflag:$0x6], $0x2000, s7, s9, $0x38;
	[tilespmem:$0x18C00] =	vst v63  }
0x5b: {  	s1 =	rddreg [dreg:$0xa]  }
0x5c: {  	[hbm4b:s1+s10] =	stream.strided.scatter [tilespmem:s21], [sflag:$0x6], $0x3000, s7, s10, $0x38;
	[tilespmem:$0x18C00] =	vst v63  }
0x5d: {  	s0 =	rddreg [dreg:$0xb]  }
0x5e: {  	[hbm4b:s0+s10] =	stream.strided.scatter [tilespmem:s22], [sflag:$0x6], $0x3000, s7, s10, $0x38;
	[tilespmem:$0x18C00] =	vst v63  }
0x5f: {  	_ =	swait.ge [sflag:s13], $0x2000  }
0x60: {  	[sflag:s13] =	ssyncset.done $0x0  }
0x61: {  	[sflag:s13] =	ssyncadd.s32 $0xFFFFE000  }
0x62: {  	_ =	swait.ge [sflag:s13], $0x3000  }
0x63: {  	[sflag:s13] =	ssyncset.done $0x0  }
0x64: {  	[sflag:s13] =	ssyncadd.s32 $0xFFFFD000  }
0x65: {  	_ =	swait.ge [sflag:s13], $0x3000  }
0x66: {  	[sflag:s13] =	ssyncset.done $0x0  }
0x67: {  	s1 =	simm.s32 $0x300;
	[sflag:s13] =	ssyncadd.s32 $0xFFFFD000  }
0x68: {  	[tilespmem:s5], [sflag:$0x2] =	stream.indirect.gather [hbm4b:s8+s16], $0x20, s1, s16, $0xb8;
	[tilespmem:$0x18C00] =	vst v63  }
0x69: {  	_ = 	snop  }
0x6a: {  	[tilespmem:s3], [sflag:$0x2] =	stream.indirect.gather [hbm4b:s2+s16], $0x30, s26, s16, $0xb8;
	[tilespmem:$0x18C00] =	vst v63  }
0x6b: {  	_ = 	snop  }
0x6c: {  	[tilespmem:s4], [sflag:$0x2] =	stream.indirect.gather [hbm4b:s14+s16], $0x30, s25, s16, $0xb8;
	[tilespmem:$0x18C00] =	vst v63  }
0x6d: {  	_ =	swait.ge [sflag:s23], $0x2000  }
0x6e: {  	[sflag:s23] =	ssyncset.done $0x0  }
0x6f: {  	[sflag:s23] =	ssyncadd.s32 $0xFFFFE000  }
0x70: {  	_ =	swait.ge [sflag:s23], $0x3000  }
0x71: {  	[sflag:s23] =	ssyncset.done $0x0  }
0x72: {  	[sflag:s23] =	ssyncadd.s32 $0xFFFFD000  }
0x73: {  	_ =	swait.ge [sflag:s23], $0x3000  }
0x74: {  	[sflag:s23] =	ssyncset.done $0x0  }
0x75: {  	s0 =	rddreg [dreg:$0xc];
	[sflag:s23] =	ssyncadd.s32 $0xFFFFD000  }
0x76: {  	[hbm4b:s0+s9] =	stream.strided.scatter [tilespmem:s17], [sflag:$0x7], $0x2000, s7, s9, $0x38;
	[tilespmem:$0x18C00] =	vst v63  }
0x77: {  	s1 =	rddreg [dreg:$0xd]  }
0x78: {  	[hbm4b:s1+s10] =	stream.strided.scatter [tilespmem:s18], [sflag:$0x7], $0x3000, s7, s10, $0x38;
	[tilespmem:$0x18C00] =	vst v63  }
0x79: {  	s0 =	rddreg [dreg:$0xe]  }
0x7a: {  	[hbm4b:s0+s10] =	stream.strided.scatter [tilespmem:s19], [sflag:$0x7], $0x3000, s7, s10, $0x38;
	[tilespmem:$0x18C00] =	vst v63  }
0x7b: {  	_ =	swait.ge [sflag:s12], $0x2000  }
0x7c: {  	[sflag:s12] =	ssyncset.done $0x0  }
0x7d: {  	[sflag:s12] =	ssyncadd.s32 $0xFFFFE000  }
0x7e: {  	_ =	swait.ge [sflag:s12], $0x3000  }
0x7f: {  	[sflag:s12] =	ssyncset.done $0x0  }
0x80: {  	[sflag:s12] =	ssyncadd.s32 $0xFFFFD000  }
0x81: {  	_ =	swait.ge [sflag:s12], $0x3000  }
0x82: {  	[sflag:s12] =	ssyncset.done $0x0  }
0x83: {  	s0 =	rddreg [dreg:$0xf];
	[sflag:s12] =	ssyncadd.s32 $0xFFFFD000  }
0x84: {  	[hbm4b:s0+s9] =	stream.strided.scatter [tilespmem:s5], [sflag:$0x5], $0x2000, s7, s9, $0x38;
	[tilespmem:$0x18C00] =	vst v63  }
0x85: {  	s1 =	rddreg [dreg:$0x10]  }
0x86: {  	[hbm4b:s1+s10] =	stream.strided.scatter [tilespmem:s3], [sflag:$0x5], $0x3000, s7, s10, $0x38;
	[tilespmem:$0x18C00] =	vst v63  }
0x87: {  	s0 =	rddreg [dreg:$0x11]  }
0x88: {  	[hbm4b:s0+s10] =	stream.strided.scatter [tilespmem:s4], [sflag:$0x5], $0x3000, s7, s10, $0x38;
	[tilespmem:$0x18C00] =	vst v63  }
0x89: {  	_ =	swait.ge [sflag:s13], $0x2000  }
0x8a: {  	[sflag:s13] =	ssyncset.done $0x0  }
0x8b: {  	[sflag:s13] =	ssyncadd.s32 $0xFFFFE000  }
0x8c: {  	_ =	swait.ge [sflag:s13], $0x3000  }
0x8d: {  	[sflag:s13] =	ssyncset.done $0x0  }
0x8e: {  	[sflag:s13] =	ssyncadd.s32 $0xFFFFD000  }
0x8f: {  	_ =	swait.ge [sflag:s13], $0x3000  }
0x90: {  	[sflag:s13] =	ssyncset.done $0x0  }
0x91: {  	[sflag:s13] =	ssyncadd.s32 $0xFFFFD000  }
0x92: {  	_ =	swait.ge [sflag:s11], $0x2000  }
0x93: {  	[sflag:s11] =	ssyncset.done $0x0  }
0x94: {  	[sflag:s11] =	ssyncadd.s32 $0xFFFFE000  }
0x95: {  	_ =	swait.ge [sflag:s11], $0x3000  }
0x96: {  	[sflag:s11] =	ssyncset.done $0x0  }
0x97: {  	[sflag:s11] =	ssyncadd.s32 $0xFFFFD000  }
0x98: {  	_ =	swait.ge [sflag:s11], $0x3000  }
0x99: {  	[sflag:s11] =	ssyncset.done $0x0  }
0x9a: {  	[sflag:s11] =	ssyncadd.s32 $0xFFFFD000  }
0x9b: {  	_ =	swait.ge [sflag:s6], $0x2000  }
0x9c: {  	[sflag:s6] =	ssyncset.done $0x0  }
0x9d: {  	p1 =	sne.s32 s24, $0x1;
	[sflag:s6] =	ssyncadd.s32 $0xFFFFE000  }
.Ltmp1:
0x9e: {  	_ =	swait.ge [sflag:s6], $0x3000;
	(pc) =	sbr.rel @!p1 .LBB2_3-.Ltmp1, $4  }
0x9f: {  	[sflag:s6] =	ssyncset.done $0x0  }
0xa0: {  	[sflag:s6] =	ssyncadd.s32 $0xFFFFD000  }
0xa1: {  	p0 =	por $0x1, $0x1;
	_ =	swait.ge [sflag:s6], $0x3000  }
0xa2: {  	s0 =	sadd.s32 $0xFFFFFFFF, s24;
	s1 =	rddreg [dreg:$0x3];
	[sflag:s6] =	ssyncset.done $0x0  }
.LBB2_4:
0xa3: {  	[sflag:s6] =	ssyncadd.s32 $0xFFFFD000  }
0xa4: {  	[tilespmem:s15], [sflag:$0x1] =	stream.linear.gather [hbm4b:s1+s15], $0x400, $0x38;
	[tilespmem:$0x18C00] =	vst v63  }
0xa5: {  	s24 =	rddreg [dreg:$0x4]  }
0xa6: {  	[tilespmem:s29], [sflag:$0x1] =	stream.linear.gather [hbm4b:s24+s15], $0x400, $0x38;
	[tilespmem:$0x18C00] =	vst v63  }
0xa7: {  	s1 =	rddreg [dreg:$0x5]  }
0xa8: {  	[tilespmem:s30], [sflag:$0x1] =	stream.linear.gather [hbm4b:s1+s15], $0x400, $0x38;
	[tilespmem:$0x18C00] =	vst v63  }
0xa9: {  	_ =	swait.ge [sflag:s31], $0x400  }
0xaa: {  	[sflag:s31] =	ssyncset.done $0x0  }
0xab: {  	[sflag:s31] =	ssyncadd.s32 $0xFFFFFC00  }
0xac: {  	_ =	swait.ge [sflag:s31], $0x400  }
0xad: {  	[sflag:s31] =	ssyncset.done $0x0  }
0xae: {  	[sflag:s31] =	ssyncadd.s32 $0xFFFFFC00  }
0xaf: {  	_ =	swait.ge [sflag:s31], $0x400  }
0xb0: {  	[sflag:s31] =	ssyncset.done $0x0  }
0xb1: {  	[sflag:s31] =	ssyncadd.s32 $0xFFFFFC00  }
0xb2: {  	[tilespmem:s5], [sflag:$0x2] =	stream.indirect.gather [hbm4b:s8+s16], $0x20, s15, s16, $0xb8;
	[tilespmem:$0x18C00] =	vst v63  }
0xb3: {  	_ = 	snop  }
0xb4: {  	[tilespmem:s3], [sflag:$0x2] =	stream.indirect.gather [hbm4b:s2+s16], $0x30, s29, s16, $0xb8;
	[tilespmem:$0x18C00] =	vst v63  }
0xb5: {  	_ = 	snop  }
0xb6: {  	[tilespmem:s4], [sflag:$0x2] =	stream.indirect.gather [hbm4b:s14+s16], $0x30, s30, s16, $0xb8;
	[tilespmem:$0x18C00] =	vst v63  }
0xb7: {  	_ = 	snop  }
0xb8: {  	[tilespmem:s20], [sflag:$0x3] =	stream.indirect.gather [hbm4b:s8+s16], $0x20, s16, s16, $0xb8;
	[tilespmem:$0x18C00] =	vst v63  }
0xb9: {  	s1 =	rddreg [dreg:$0x12]  }
0xba: {  	[tilespmem:s21], [sflag:$0x3] =	stream.indirect.gather [hbm4b:s2+s16], $0x30, s1, s16, $0xb8;
	[tilespmem:$0x18C00] =	vst v63  }
0xbb: {  	s24 =	rddreg [dreg:$0x13]  }
0xbc: {  	[tilespmem:s22], [sflag:$0x3] =	stream.indirect.gather [hbm4b:s14+s16], $0x30, s24, s16, $0xb8;
	[tilespmem:$0x18C00] =	vst v63  }
0xbd: {  	_ =	swait.ge [sflag:s12], $0x2000  }
0xbe: {  	[sflag:s12] =	ssyncset.done $0x0  }
0xbf: {  	[sflag:s12] =	ssyncadd.s32 $0xFFFFE000  }
0xc0: {  	_ =	swait.ge [sflag:s12], $0x3000  }
0xc1: {  	[sflag:s12] =	ssyncset.done $0x0  }
0xc2: {  	[sflag:s12] =	ssyncadd.s32 $0xFFFFD000  }
0xc3: {  	_ =	swait.ge [sflag:s12], $0x3000  }
0xc4: {  	[sflag:s12] =	ssyncset.done $0x0  }
0xc5: {  	s1 =	rddreg [dreg:$0x6];
	[sflag:s12] =	ssyncadd.s32 $0xFFFFD000  }
0xc6: {  	[hbm4b:s1+s9] =	stream.strided.scatter [tilespmem:s5], [sflag:$0x5], $0x2000, s7, s9, $0x38;
	[tilespmem:$0x18C00] =	vst v63  }
0xc7: {  	s24 =	rddreg [dreg:$0x7]  }
0xc8: {  	[hbm4b:s24+s10] =	stream.strided.scatter [tilespmem:s3], [sflag:$0x5], $0x3000, s7, s10, $0x38;
	[tilespmem:$0x18C00] =	vst v63  }
0xc9: {  	s1 =	rddreg [dreg:$0x8]  }
0xca: {  	[hbm4b:s1+s10] =	stream.strided.scatter [tilespmem:s4], [sflag:$0x5], $0x3000, s7, s10, $0x38;
	[tilespmem:$0x18C00] =	vst v63  }
0xcb: {  	s24 =	rddreg [dreg:$0x14]  }
0xcc: {  	[tilespmem:s17], [sflag:$0x4] =	stream.indirect.gather [hbm4b:s8+s16], $0x20, s24, s16, $0xb8;
	[tilespmem:$0x18C00] =	vst v63  }
0xcd: {  	s1 =	rddreg [dreg:$0x15]  }
0xce: {  	[tilespmem:s18], [sflag:$0x4] =	stream.indirect.gather [hbm4b:s2+s16], $0x30, s1, s16, $0xb8;
	[tilespmem:$0x18C00] =	vst v63  }
0xcf: {  	s24 =	rddreg [dreg:$0x16]  }
0xd0: {  	[tilespmem:s19], [sflag:$0x4] =	stream.indirect.gather [hbm4b:s14+s16], $0x30, s24, s16, $0xb8;
	[tilespmem:$0x18C00] =	vst v63  }
0xd1: {  	_ =	swait.ge [sflag:s28], $0x2000  }
0xd2: {  	[sflag:s28] =	ssyncset.done $0x0  }
0xd3: {  	[sflag:s28] =	ssyncadd.s32 $0xFFFFE000  }
0xd4: {  	_ =	swait.ge [sflag:s28], $0x3000  }
0xd5: {  	[sflag:s28] =	ssyncset.done $0x0  }
0xd6: {  	[sflag:s28] =	ssyncadd.s32 $0xFFFFD000  }
0xd7: {  	_ =	swait.ge [sflag:s28], $0x3000  }
0xd8: {  	[sflag:s28] =	ssyncset.done $0x0  }
0xd9: {  	s1 =	rddreg [dreg:$0x9];
	[sflag:s28] =	ssyncadd.s32 $0xFFFFD000  }
0xda: {  	[hbm4b:s1+s9] =	stream.strided.scatter [tilespmem:s20], [sflag:$0x6], $0x2000, s7, s9, $0x38;
	[tilespmem:$0x18C00] =	vst v63  }
0xdb: {  	s24 =	rddreg [dreg:$0xa]  }
0xdc: {  	[hbm4b:s24+s10] =	stream.strided.scatter [tilespmem:s21], [sflag:$0x6], $0x3000, s7, s10, $0x38;
	[tilespmem:$0x18C00] =	vst v63  }
0xdd: {  	s1 =	rddreg [dreg:$0xb]  }
0xde: {  	[hbm4b:s1+s10] =	stream.strided.scatter [tilespmem:s22], [sflag:$0x6], $0x3000, s7, s10, $0x38;
	[tilespmem:$0x18C00] =	vst v63  }
0xdf: {  	_ =	swait.ge [sflag:s13], $0x2000  }
0xe0: {  	[sflag:s13] =	ssyncset.done $0x0  }
0xe1: {  	[sflag:s13] =	ssyncadd.s32 $0xFFFFE000  }
0xe2: {  	_ =	swait.ge [sflag:s13], $0x3000  }
0xe3: {  	[sflag:s13] =	ssyncset.done $0x0  }
0xe4: {  	[sflag:s13] =	ssyncadd.s32 $0xFFFFD000  }
0xe5: {  	_ =	swait.ge [sflag:s13], $0x3000  }
0xe6: {  	[sflag:s13] =	ssyncset.done $0x0  }
0xe7: {  	s24 =	simm.s32 $0x300;
	[sflag:s13] =	ssyncadd.s32 $0xFFFFD000  }
0xe8: {  	[tilespmem:s5], [sflag:$0x2] =	stream.indirect.gather [hbm4b:s8+s16], $0x20, s24, s16, $0xb8;
	[tilespmem:$0x18C00] =	vst v63  }
0xe9: {  	_ = 	snop  }
0xea: {  	[tilespmem:s3], [sflag:$0x2] =	stream.indirect.gather [hbm4b:s2+s16], $0x30, s26, s16, $0xb8;
	[tilespmem:$0x18C00] =	vst v63  }
0xeb: {  	_ = 	snop  }
0xec: {  	[tilespmem:s4], [sflag:$0x2] =	stream.indirect.gather [hbm4b:s14+s16], $0x30, s25, s16, $0xb8;
	[tilespmem:$0x18C00] =	vst v63  }
0xed: {  	_ =	swait.ge [sflag:s23], $0x2000  }
0xee: {  	[sflag:s23] =	ssyncset.done $0x0  }
0xef: {  	[sflag:s23] =	ssyncadd.s32 $0xFFFFE000  }
0xf0: {  	_ =	swait.ge [sflag:s23], $0x3000  }
0xf1: {  	[sflag:s23] =	ssyncset.done $0x0  }
0xf2: {  	[sflag:s23] =	ssyncadd.s32 $0xFFFFD000  }
0xf3: {  	_ =	swait.ge [sflag:s23], $0x3000  }
0xf4: {  	[sflag:s23] =	ssyncset.done $0x0  }
0xf5: {  	s1 =	rddreg [dreg:$0xc];
	[sflag:s23] =	ssyncadd.s32 $0xFFFFD000  }
0xf6: {  	[hbm4b:s1+s9] =	stream.strided.scatter [tilespmem:s17], [sflag:$0x7], $0x2000, s7, s9, $0x38;
	[tilespmem:$0x18C00] =	vst v63  }
0xf7: {  	s24 =	rddreg [dreg:$0xd]  }
0xf8: {  	[hbm4b:s24+s10] =	stream.strided.scatter [tilespmem:s18], [sflag:$0x7], $0x3000, s7, s10, $0x38;
	[tilespmem:$0x18C00] =	vst v63  }
0xf9: {  	s1 =	rddreg [dreg:$0xe]  }
0xfa: {  	[hbm4b:s1+s10] =	stream.strided.scatter [tilespmem:s19], [sflag:$0x7], $0x3000, s7, s10, $0x38;
	[tilespmem:$0x18C00] =	vst v63  }
0xfb: {  	_ =	swait.ge [sflag:s12], $0x2000  }
0xfc: {  	[sflag:s12] =	ssyncset.done $0x0  }
0xfd: {  	[sflag:s12] =	ssyncadd.s32 $0xFFFFE000  }
0xfe: {  	_ =	swait.ge [sflag:s12], $0x3000  }
0xff: {  	[sflag:s12] =	ssyncset.done $0x0  }
0x100: {  	[sflag:s12] =	ssyncadd.s32 $0xFFFFD000  }
0x101: {  	_ =	swait.ge [sflag:s12], $0x3000  }
0x102: {  	[sflag:s12] =	ssyncset.done $0x0  }
0x103: {  	s1 =	rddreg [dreg:$0xf];
	[sflag:s12] =	ssyncadd.s32 $0xFFFFD000  }
0x104: {  	[hbm4b:s1+s9] =	stream.strided.scatter [tilespmem:s5], [sflag:$0x5], $0x2000, s7, s9, $0x38;
	[tilespmem:$0x18C00] =	vst v63  }
0x105: {  	s24 =	rddreg [dreg:$0x10]  }
0x106: {  	[hbm4b:s24+s10] =	stream.strided.scatter [tilespmem:s3], [sflag:$0x5], $0x3000, s7, s10, $0x38;
	[tilespmem:$0x18C00] =	vst v63  }
0x107: {  	s1 =	rddreg [dreg:$0x11]  }
0x108: {  	[hbm4b:s1+s10] =	stream.strided.scatter [tilespmem:s4], [sflag:$0x5], $0x3000, s7, s10, $0x38;
	[tilespmem:$0x18C00] =	vst v63  }
0x109: {  	_ =	swait.ge [sflag:s13], $0x2000  }
0x10a: {  	[sflag:s13] =	ssyncset.done $0x0  }
0x10b: {  	[sflag:s13] =	ssyncadd.s32 $0xFFFFE000  }
0x10c: {  	_ =	swait.ge [sflag:s13], $0x3000  }
0x10d: {  	[sflag:s13] =	ssyncset.done $0x0  }
0x10e: {  	[sflag:s13] =	ssyncadd.s32 $0xFFFFD000  }
0x10f: {  	_ =	swait.ge [sflag:s13], $0x3000  }
0x110: {  	[sflag:s13] =	ssyncset.done $0x0  }
0x111: {  	[sflag:s13] =	ssyncadd.s32 $0xFFFFD000  }
0x112: {  	_ =	swait.ge [sflag:s11], $0x2000  }
0x113: {  	[sflag:s11] =	ssyncset.done $0x0  }
0x114: {  	[sflag:s11] =	ssyncadd.s32 $0xFFFFE000  }
0x115: {  	_ =	swait.ge [sflag:s11], $0x3000  }
0x116: {  	[sflag:s11] =	ssyncset.done $0x0  }
0x117: {  	[sflag:s11] =	ssyncadd.s32 $0xFFFFD000  }
0x118: {  	_ =	swait.ge [sflag:s11], $0x3000  }
0x119: {  	[sflag:s11] =	ssyncset.done $0x0  }
0x11a: {  	[sflag:s11] =	ssyncadd.s32 $0xFFFFD000  }
0x11b: {  	_ =	swait.ge [sflag:s6], $0x2000  }
0x11c: {  	[sflag:s6] =	ssyncset.done $0x0  }
0x11d: {  	p1 =	sne.s32 s0, $0x1;
	[sflag:s6] =	ssyncadd.s32 $0xFFFFE000  }
.Ltmp2:
0x11e: {  	_ =	swait.ge [sflag:s6], $0x3000;
	(pc) =	sbr.rel @p1 .LBB2_4-.Ltmp2, $4  }
0x11f: {  	[sflag:s6] =	ssyncset.done $0x0  }
0x120: {  	[sflag:s6] =	ssyncadd.s32 $0xFFFFD000  }
0x121: {  	_ =	swait.ge [sflag:s6], $0x3000  }
0x122: {  	s0 =	sadd.s32 $0xFFFFFFFF, s0;
	s1 =	rddreg [dreg:$0x3];
	[sflag:s6] =	ssyncset.done $0x0  }
0x123: {  	s26 =	simm.s32 $0x700;
	s25 =	simm.s32 $0x300;
	s24 =	rddreg [dreg:$0x2]  }
.LBB2_6:
0x124: {  	[sflag:s6] =	ssyncadd.s32 @p0 $0xFFFFD000  }
0x125: {  	[tilespmem:s15], [sflag:$0x1] =	stream.linear.gather [hbm4b:s1+s15], $0x400, $0x38;
	[tilespmem:$0x18C00] =	vst v63  }
0x126: {  	s0 =	rddreg [dreg:$0x4]  }
0x127: {  	[tilespmem:s29], [sflag:$0x1] =	stream.linear.gather [hbm4b:s0+s15], $0x400, $0x38;
	[tilespmem:$0x18C00] =	vst v63  }
0x128: {  	s1 =	rddreg [dreg:$0x5]  }
0x129: {  	[tilespmem:s30], [sflag:$0x1] =	stream.linear.gather [hbm4b:s1+s15], $0x400, $0x38;
	[tilespmem:$0x18C00] =	vst v63  }
0x12a: {  	_ =	swait.ge [sflag:s31], $0x400  }
0x12b: {  	[sflag:s31] =	ssyncset.done $0x0  }
0x12c: {  	[sflag:s31] =	ssyncadd.s32 $0xFFFFFC00  }
0x12d: {  	_ =	swait.ge [sflag:s31], $0x400  }
0x12e: {  	[sflag:s31] =	ssyncset.done $0x0  }
0x12f: {  	[sflag:s31] =	ssyncadd.s32 $0xFFFFFC00  }
0x130: {  	_ =	swait.ge [sflag:s31], $0x400  }
0x131: {  	[sflag:s31] =	ssyncset.done $0x0  }
0x132: {  	[sflag:s31] =	ssyncadd.s32 $0xFFFFFC00  }
0x133: {  	[tilespmem:s5], [sflag:$0x2] =	stream.indirect.gather [hbm4b:s8+s16], $0x20, s15, s16, $0xb8;
	[tilespmem:$0x18C00] =	vst v63  }
0x134: {  	_ = 	snop  }
0x135: {  	[tilespmem:s3], [sflag:$0x2] =	stream.indirect.gather [hbm4b:s2+s16], $0x30, s29, s16, $0xb8;
	[tilespmem:$0x18C00] =	vst v63  }
0x136: {  	_ = 	snop  }
0x137: {  	[tilespmem:s4], [sflag:$0x2] =	stream.indirect.gather [hbm4b:s14+s16], $0x30, s30, s16, $0xb8;
	[tilespmem:$0x18C00] =	vst v63  }
0x138: {  	_ = 	snop  }
0x139: {  	[tilespmem:s20], [sflag:$0x3] =	stream.indirect.gather [hbm4b:s8+s16], $0x20, s16, s16, $0xb8;
	[tilespmem:$0x18C00] =	vst v63  }
0x13a: {  	s15 =	rddreg [dreg:$0x12]  }
0x13b: {  	[tilespmem:s21], [sflag:$0x3] =	stream.indirect.gather [hbm4b:s2+s16], $0x30, s15, s16, $0xb8;
	[tilespmem:$0x18C00] =	vst v63  }
0x13c: {  	s29 =	rddreg [dreg:$0x13]  }
0x13d: {  	[tilespmem:s22], [sflag:$0x3] =	stream.indirect.gather [hbm4b:s14+s16], $0x30, s29, s16, $0xb8;
	[tilespmem:$0x18C00] =	vst v63  }
0x13e: {  	_ =	swait.ge [sflag:s12], $0x2000  }
0x13f: {  	[sflag:s12] =	ssyncset.done $0x0  }
0x140: {  	[sflag:s12] =	ssyncadd.s32 $0xFFFFE000  }
0x141: {  	_ =	swait.ge [sflag:s12], $0x3000  }
0x142: {  	[sflag:s12] =	ssyncset.done $0x0  }
0x143: {  	[sflag:s12] =	ssyncadd.s32 $0xFFFFD000  }
0x144: {  	_ =	swait.ge [sflag:s12], $0x3000  }
0x145: {  	[sflag:s12] =	ssyncset.done $0x0  }
0x146: {  	s30 =	rddreg [dreg:$0x6];
	[sflag:s12] =	ssyncadd.s32 $0xFFFFD000  }
0x147: {  	[hbm4b:s30+s9] =	stream.strided.scatter [tilespmem:s5], [sflag:$0x5], $0x2000, s7, s9, $0x38;
	[tilespmem:$0x18C00] =	vst v63  }
0x148: {  	s31 =	rddreg [dreg:$0x7]  }
0x149: {  	[hbm4b:s31+s10] =	stream.strided.scatter [tilespmem:s3], [sflag:$0x5], $0x3000, s7, s10, $0x38;
	[tilespmem:$0x18C00] =	vst v63  }
0x14a: {  	s15 =	rddreg [dreg:$0x8]  }
0x14b: {  	[hbm4b:s15+s10] =	stream.strided.scatter [tilespmem:s4], [sflag:$0x5], $0x3000, s7, s10, $0x38;
	[tilespmem:$0x18C00] =	vst v63  }
0x14c: {  	s29 =	rddreg [dreg:$0x14]  }
0x14d: {  	[tilespmem:s17], [sflag:$0x4] =	stream.indirect.gather [hbm4b:s8+s16], $0x20, s29, s16, $0xb8;
	[tilespmem:$0x18C00] =	vst v63  }
0x14e: {  	s30 =	rddreg [dreg:$0x15]  }
0x14f: {  	[tilespmem:s18], [sflag:$0x4] =	stream.indirect.gather [hbm4b:s2+s16], $0x30, s30, s16, $0xb8;
	[tilespmem:$0x18C00] =	vst v63  }
0x150: {  	s31 =	rddreg [dreg:$0x16]  }
0x151: {  	[tilespmem:s19], [sflag:$0x4] =	stream.indirect.gather [hbm4b:s14+s16], $0x30, s31, s16, $0xb8;
	[tilespmem:$0x18C00] =	vst v63  }
0x152: {  	_ =	swait.ge [sflag:s28], $0x2000  }
0x153: {  	[sflag:s28] =	ssyncset.done $0x0  }
0x154: {  	[sflag:s28] =	ssyncadd.s32 $0xFFFFE000  }
0x155: {  	_ =	swait.ge [sflag:s28], $0x3000  }
0x156: {  	[sflag:s28] =	ssyncset.done $0x0  }
0x157: {  	[sflag:s28] =	ssyncadd.s32 $0xFFFFD000  }
0x158: {  	_ =	swait.ge [sflag:s28], $0x3000  }
0x159: {  	[sflag:s28] =	ssyncset.done $0x0  }
0x15a: {  	s1 =	rddreg [dreg:$0x9];
	[sflag:s28] =	ssyncadd.s32 $0xFFFFD000  }
0x15b: {  	[hbm4b:s1+s9] =	stream.strided.scatter [tilespmem:s20], [sflag:$0x6], $0x2000, s7, s9, $0x38;
	[tilespmem:$0x18C00] =	vst v63  }
0x15c: {  	s15 =	rddreg [dreg:$0xa]  }
0x15d: {  	[hbm4b:s15+s10] =	stream.strided.scatter [tilespmem:s21], [sflag:$0x6], $0x3000, s7, s10, $0x38;
	[tilespmem:$0x18C00] =	vst v63  }
0x15e: {  	s20 =	rddreg [dreg:$0xb]  }
0x15f: {  	[hbm4b:s20+s10] =	stream.strided.scatter [tilespmem:s22], [sflag:$0x6], $0x3000, s7, s10, $0x38;
	[tilespmem:$0x18C00] =	vst v63  }
0x160: {  	_ =	swait.ge [sflag:s13], $0x2000  }
0x161: {  	[sflag:s13] =	ssyncset.done $0x0  }
0x162: {  	[sflag:s13] =	ssyncadd.s32 $0xFFFFE000  }
0x163: {  	_ =	swait.ge [sflag:s13], $0x3000  }
0x164: {  	[sflag:s13] =	ssyncset.done $0x0  }
0x165: {  	[sflag:s13] =	ssyncadd.s32 $0xFFFFD000  }
0x166: {  	_ =	swait.ge [sflag:s13], $0x3000  }
0x167: {  	[sflag:s13] =	ssyncset.done $0x0  }
0x168: {  	[sflag:s13] =	ssyncadd.s32 $0xFFFFD000  }
0x169: {  	[tilespmem:s5], [sflag:$0x2] =	stream.indirect.gather [hbm4b:s8+s16], $0x20, s25, s16, $0xb8;
	[tilespmem:$0x18C00] =	vst v63  }
0x16a: {  	_ = 	snop  }
0x16b: {  	[tilespmem:s3], [sflag:$0x2] =	stream.indirect.gather [hbm4b:s2+s16], $0x30, s26, s16, $0xb8;
	[tilespmem:$0x18C00] =	vst v63  }
0x16c: {  	s21 =	simm.s32 $0xB00  }
0x16d: {  	[tilespmem:s4], [sflag:$0x2] =	stream.indirect.gather [hbm4b:s14+s16], $0x30, s21, s16, $0xb8;
	[tilespmem:$0x18C00] =	vst v63  }
0x16e: {  	_ =	swait.ge [sflag:s23], $0x2000  }
0x16f: {  	[sflag:s23] =	ssyncset.done $0x0  }
0x170: {  	[sflag:s23] =	ssyncadd.s32 $0xFFFFE000  }
0x171: {  	_ =	swait.ge [sflag:s23], $0x3000  }
0x172: {  	[sflag:s23] =	ssyncset.done $0x0  }
0x173: {  	[sflag:s23] =	ssyncadd.s32 $0xFFFFD000  }
0x174: {  	_ =	swait.ge [sflag:s23], $0x3000  }
0x175: {  	[sflag:s23] =	ssyncset.done $0x0  }
0x176: {  	s22 =	rddreg [dreg:$0xc];
	[sflag:s23] =	ssyncadd.s32 $0xFFFFD000  }
0x177: {  	[hbm4b:s22+s9] =	stream.strided.scatter [tilespmem:s17], [sflag:$0x7], $0x2000, s7, s9, $0x38;
	[tilespmem:$0x18C00] =	vst v63  }
0x178: {  	s25 =	rddreg [dreg:$0xd]  }
0x179: {  	[hbm4b:s25+s10] =	stream.strided.scatter [tilespmem:s18], [sflag:$0x7], $0x3000, s7, s10, $0x38;
	[tilespmem:$0x18C00] =	vst v63  }
0x17a: {  	s26 =	rddreg [dreg:$0xe]  }
0x17b: {  	[hbm4b:s26+s10] =	stream.strided.scatter [tilespmem:s19], [sflag:$0x7], $0x3000, s7, s10, $0x38;
	[tilespmem:$0x18C00] =	vst v63  }
0x17c: {  	_ =	swait.ge [sflag:s12], $0x2000  }
0x17d: {  	[sflag:s12] =	ssyncset.done $0x0  }
0x17e: {  	[sflag:s12] =	ssyncadd.s32 $0xFFFFE000  }
0x17f: {  	_ =	swait.ge [sflag:s12], $0x3000  }
0x180: {  	[sflag:s12] =	ssyncset.done $0x0  }
0x181: {  	[sflag:s12] =	ssyncadd.s32 $0xFFFFD000  }
0x182: {  	_ =	swait.ge [sflag:s12], $0x3000  }
0x183: {  	[sflag:s12] =	ssyncset.done $0x0  }
0x184: {  	s28 =	rddreg [dreg:$0xf];
	[sflag:s12] =	ssyncadd.s32 $0xFFFFD000  }
0x185: {  	[hbm4b:s28+s9] =	stream.strided.scatter [tilespmem:s5], [sflag:$0x5], $0x2000, s7, s9, $0x38;
	[tilespmem:$0x18C00] =	vst v63  }
0x186: {  	s29 =	rddreg [dreg:$0x10]  }
0x187: {  	[hbm4b:s29+s10] =	stream.strided.scatter [tilespmem:s3], [sflag:$0x5], $0x3000, s7, s10, $0x38;
	[tilespmem:$0x18C00] =	vst v63  }
0x188: {  	s30 =	rddreg [dreg:$0x11]  }
0x189: {  	[hbm4b:s30+s10] =	stream.strided.scatter [tilespmem:s4], [sflag:$0x5], $0x3000, s7, s10, $0x38;
	[tilespmem:$0x18C00] =	vst v63  }
0x18a: {  	_ =	swait.ge [sflag:s13], $0x2000  }
0x18b: {  	[sflag:s13] =	ssyncset.done $0x0  }
0x18c: {  	[sflag:s13] =	ssyncadd.s32 $0xFFFFE000  }
0x18d: {  	_ =	swait.ge [sflag:s13], $0x3000  }
0x18e: {  	[sflag:s13] =	ssyncset.done $0x0  }
0x18f: {  	[sflag:s13] =	ssyncadd.s32 $0xFFFFD000  }
0x190: {  	_ =	swait.ge [sflag:s13], $0x3000  }
0x191: {  	[sflag:s13] =	ssyncset.done $0x0  }
0x192: {  	[sflag:s13] =	ssyncadd.s32 $0xFFFFD000  }
0x193: {  	_ =	swait.ge [sflag:s11], $0x2000  }
0x194: {  	[sflag:s11] =	ssyncset.done $0x0  }
0x195: {  	[sflag:s11] =	ssyncadd.s32 $0xFFFFE000  }
0x196: {  	_ =	swait.ge [sflag:s11], $0x3000  }
0x197: {  	[sflag:s11] =	ssyncset.done $0x0  }
0x198: {  	[sflag:s11] =	ssyncadd.s32 $0xFFFFD000  }
0x199: {  	_ =	swait.ge [sflag:s11], $0x3000  }
0x19a: {  	[sflag:s11] =	ssyncset.done $0x0  }
0x19b: {  	[sflag:s11] =	ssyncadd.s32 $0xFFFFD000  }
0x19c: {  	_ =	swait.ge [sflag:s6], $0x2000  }
0x19d: {  	[sflag:s6] =	ssyncset.done $0x0  }
0x19e: {  	[sflag:s6] =	ssyncadd.s32 $0xFFFFE000  }
0x19f: {  	_ =	swait.ge [sflag:s6], $0x3000  }
0x1a0: {  	[sflag:s6] =	ssyncset.done $0x0  }
0x1a1: {  	[sflag:s6] =	ssyncadd.s32 $0xFFFFD000  }
0x1a2: {  	_ =	swait.ge [sflag:s6], $0x3000  }
0x1a3: {  	[sflag:s6] =	ssyncset.done $0x0  }
0x1a4: {  	[sflag:s6] =	ssyncadd.s32 $0xFFFFD000  }
0x1a5: {  	_ =	sfence.sel $0x180000  }
0x1a6: {  	s31 =	stileid.u32;
	[bflag:$0x0] =	sbarrier.arrive $0xFFFF  }
0x1a7: {  	p0 =	sne.s32 s31, $0x0;
	_ =	strace $0x90000047  }
0x1a8: {  	s0 =	sadd.s32 @!p0 $0x100000, s24;
	[bflag:$0x2] =	sbarrier.arrive $0xFFFF  }
0x1a9: {  	[sflag:s0] =	ssyncadd.tile.s32 @!p0 $0x1;
	_ =	shalt  }
.LBB2_1:
.Ltmp3:
0x1aa: {  	(pc) =	sbr.rel .LBB2_6-.Ltmp3, $2  }
0x1ab: {  	_ =	sdelay $0x2  }
0x1ac: {  	s26 =	simm.s32 $0x700;
	s25 =	simm.s32 $0x300  }
.LBB2_3:
.Ltmp4:
0x1ad: {  	(pc) =	sbr.rel .LBB2_6-.Ltmp4, $2  }
0x1ae: {  	_ =	sdelay $0x2  }
0x1af: {  	s26 =	simm.s32 $0x700;
	s25 =	simm.s32 $0x300;
	s24 =	rddreg [dreg:$0x2]  }
.Lfunc_end2:
_tile_overlayer_lowered:
.L_overlay_start_2:
0x1b0: {  	(tag) =	ssettag $0x2  }
0x1b1: {  	s0 =	rddreg [dreg:$0x0];
	s2 =	stileid.u32  }
0x1b2: {  	s1 =	rddreg [dreg:$0x1];
	p0 =	sne.s32 s2, $0x0  }
0x1b3: {  	s3 =	rddreg [dreg:$0x2];
	[bflag:$0x3] =	sbarrier.arrive $0xFFFF;
	s2 =	simm.s32 @!p0 $0x1C08  }
0x1b4: {  	[timem:s3], [sflag:s2] =	dma.local @!p0 [hbm:s0], s1  }
0x1b5: {  	s0 =	simm.s32 @!p0 $0x8  }
0x1b6: {  	_ =	swait.ge @!p0 [sflag:s0], s1  }
0x1b7: {  	s1 =	ssub.s32 @!p0 $0x0, s1;
	[sflag:s0] =	ssyncset.done @!p0 $0x0  }
0x1b8: {  	[sflag:s0] =	ssyncadd.s32 @!p0 s1  }
0x1b9: {  	[bflag:$0x3] =	sbarrier.arrive $0xFFFF  }
0x1ba: {  	_ =	shalt  }

</sc_bundles>
